<compile_context>
chip_gen: v7x
topology: tpu7x:2x2x1
jax: 0.10.2.dev20260603
libtpu: 0.0.44.dev20260713+nightly
codegen_flags: <defaults>
</compile_context>

<pallas_src>
import functools

import jax
import jax.numpy as jnp
from jax import lax
from jax.experimental import pallas as pl
from jax.experimental.pallas import tpu as pltpu
from jax.experimental.pallas import tpu_sc as plsc

BATCH = 16384
EMB = 32
NC = 2
NS = 16
NW = NC * NS
BPW = BATCH // NW
LANES = 16
GROUPS = BPW // LANES

_mesh = plsc.VectorSubcoreMesh(core_axis_name="c", subcore_axis_name="s")


@functools.partial(
    pl.kernel,
    mesh=_mesh,
    out_type=jax.ShapeDtypeStruct((BATCH,), jnp.float32),
    scratch_types=[
        pltpu.VMEM((2 * BPW,), jnp.int32),
        pltpu.VMEM((BPW,), jnp.int32),
        pltpu.VMEM((2 * BPW, EMB), jnp.float32),
        pltpu.VMEM((BPW, EMB), jnp.float32),
        pltpu.VMEM((BPW,), jnp.float32),
        pltpu.SemaphoreType.DMA,
    ],
    compiler_params=pltpu.CompilerParams(
        needs_layout_passes=False, use_tc_tiling_on_sc=False
    ),
)
def _transe_sc(h_hbm, r_hbm, t_hbm, ent_hbm, rel_hbm, out_hbm,
               hti, ri, htv, rv, ov, sem):
    wid = lax.axis_index("s") * NC + lax.axis_index("c")
    base = wid * BPW

    pltpu.sync_copy(h_hbm.at[pl.ds(base, BPW)], hti.at[pl.ds(0, BPW)])
    pltpu.sync_copy(t_hbm.at[pl.ds(base, BPW)], hti.at[pl.ds(BPW, BPW)])
    pltpu.sync_copy(r_hbm.at[pl.ds(base, BPW)], ri)

    cp_ht = pltpu.async_copy(ent_hbm.at[hti], htv, sem)
    cp_r = pltpu.async_copy(rel_hbm.at[ri], rv, sem)
    cp_ht.wait()
    cp_r.wait()

    lanes = lax.iota(jnp.int32, LANES)

    def group_body(g, carry):
        acc = jnp.zeros((LANES,), jnp.float32)
        for i in range(LANES):
            row = g * LANES + i
            h0 = htv[row, pl.ds(0, LANES)]
            h1 = htv[row, pl.ds(LANES, LANES)]
            t0 = htv[BPW + row, pl.ds(0, LANES)]
            t1 = htv[BPW + row, pl.ds(LANES, LANES)]
            r0 = rv[row, pl.ds(0, LANES)]
            r1 = rv[row, pl.ds(LANES, LANES)]
            e = jnp.abs(h0 + r0 - t0) + jnp.abs(h1 + r1 - t1)
            s = jnp.sum(e)
            acc = jnp.where(lanes == i, s, acc)
        ov[pl.ds(pl.multiple_of(g * LANES, LANES), LANES)] = acc
        return carry

    lax.fori_loop(0, GROUPS, group_body, 0)

    pltpu.sync_copy(ov, out_hbm.at[pl.ds(base, BPW)])


def kernel(batch_h, batch_r, batch_t, entity_embds, rel_embds):
    return _transe_sc(batch_h, batch_r, batch_t, entity_embds, rel_embds)

# --- scband reference (transcript-rebuilt; emitter-appended) ---
"""Pipeline reference for scband-trans-e-3272765080423 (READ-ONLY COPY).

The authoritative reference and input builder live on the scoring server;
editing this copy changes nothing except your own understanding.
"""

import jax, jax.numpy as jnp
import numpy as np

NUM_ENTITIES = 1000000
NUM_RELATIONS = 1000
EMB_DIM = 32
BATCH = 16384

def setup_inputs(seed: int = 0) -> dict:
    key = jax.random.key(seed)
    k1, k2, k3, k4, k5 = jax.random.split(key, 5)
    batch_h = jax.random.randint(k1, (BATCH,), 0, NUM_ENTITIES, dtype=jnp.int64 if jax.config.read('jax_enable_x64') else jnp.int32)
    batch_r = jax.random.randint(k2, (BATCH,), 0, NUM_RELATIONS, dtype=jnp.int64 if jax.config.read('jax_enable_x64') else jnp.int32)
    batch_t = jax.random.randint(k3, (BATCH,), 0, NUM_ENTITIES, dtype=jnp.int64 if jax.config.read('jax_enable_x64') else jnp.int32)
    entity_embds = jax.random.normal(k4, (NUM_ENTITIES, EMB_DIM), dtype=jnp.float32)
    rel_embds = jax.random.normal(k5, (NUM_RELATIONS, EMB_DIM), dtype=jnp.float32)
    return {"batch_h": batch_h, "batch_r": batch_r, "batch_t": batch_t,
            "entity_embds": entity_embds, "rel_embds": rel_embds}

def reference(batch_h, batch_r, batch_t, entity_embds, rel_embds):
    # TransE forward: embedding lookups for head, relation, tail,
    # then L1 distance score ||h + r - t||_1 per triple.
    h_embeds = jnp.take(entity_embds, batch_h, axis=0)
    r_embeds = jnp.take(rel_embds, batch_r, axis=0)
    t_embeds = jnp.take(entity_embds, batch_t, axis=0)
    scores = jnp.sum(jnp.abs(h_embeds + r_embeds - t_embeds), axis=1)
    return scores

if __name__ == "__main__":
    import jax
    _d = setup_inputs()
    print(jax.jit(kernel)(*tuple(_d.values())))

</pallas_src>

<mosaic_0001>
#map = affine_map<(d0, d1) -> (0)>
#map1 = affine_map<(d0, d1) -> (0, 0)>
module attributes {stable_mosaic.version = 14 : i64} {
  func.func @_transe_sc(%arg0: i32, %arg1: i32, %arg2: memref<16384xi32, #tpu.memory_space<hbm>>, %arg3: memref<16384xi32, #tpu.memory_space<hbm>>, %arg4: memref<16384xi32, #tpu.memory_space<hbm>>, %arg5: memref<1000000x32xf32, #tpu.memory_space<hbm>>, %arg6: memref<1000x32xf32, #tpu.memory_space<hbm>>, %arg7: memref<16384xf32, #tpu.memory_space<hbm>>, %arg8: memref<1024xi32, #tpu.memory_space<vmem>>, %arg9: memref<512xi32, #tpu.memory_space<vmem>>, %arg10: memref<1024x32xf32, #tpu.memory_space<vmem>>, %arg11: memref<512x32xf32, #tpu.memory_space<vmem>>, %arg12: memref<512xf32, #tpu.memory_space<vmem>>, %arg13: memref<!tpu.dma_semaphore, #tpu.memory_space<semaphore_mem>>) attributes {dimension_semantics = [#tpu.dimension_semantics<core_parallel>, #tpu.dimension_semantics<subcore_parallel>], iteration_bounds = array<i64: 2, 16>, scalar_prefetch = 0 : i64, scratch_operands = 6 : i64, tpu.core_type = #tpu.core_type<sc_vector_subcore>, window_params = [{transform_indices = #map}, {transform_indices = #map}, {transform_indices = #map}, {transform_indices = #map1}, {transform_indices = #map1}, {transform_indices = #map}]} {
    %mul3A = arith.constant 2 : i32
    %mul3A_0 = arith.muli %arg1, %mul3A : i32
    %add3A = arith.addi %mul3A_0, %arg0 : i32
    %mul3A_1 = arith.constant 512 : i32
    %mul3A_2 = arith.muli %add3A, %mul3A_1 : i32
    "tpu.region"() ({
      %run_scoped3A = tpu.sem_alloc : memref<!tpu.dma_semaphore, #tpu.memory_space<semaphore_mem>>
      %dma_start3A_18 = arith.constant 0 : i32
      %dma_start3A_19 = tpu.memref_slice %arg8[%dma_start3A_18] : memref<1024xi32, #tpu.memory_space<vmem>> -> memref<512xi32, #tpu.memory_space<vmem>>
      %dma_start3A_20 = tpu.memref_slice %arg2[%mul3A_2] : memref<16384xi32, #tpu.memory_space<hbm>> -> memref<512xi32, #tpu.memory_space<hbm>>
      %dma_start3A_21 = arith.constant 0 : i32
      %dma_start3A_22 = tpu.memref_slice %arg8[%dma_start3A_21] : memref<1024xi32, #tpu.memory_space<vmem>> -> memref<512xi32, #tpu.memory_space<vmem>>
      %dma_start3A_23 = tpu.memref_slice %arg2[%mul3A_2] : memref<16384xi32, #tpu.memory_space<hbm>> -> memref<512xi32, #tpu.memory_space<hbm>>
      tpu.enqueue_dma source(%dma_start3A_23 : memref<512xi32, #tpu.memory_space<hbm>>) target(%dma_start3A_22 : memref<512xi32, #tpu.memory_space<vmem>>) target_semaphore(%run_scoped3A : memref<!tpu.dma_semaphore, #tpu.memory_space<semaphore_mem>>)
      %dma_wait3A_24 = arith.constant 0 : i32
      %dma_wait3A_25 = tpu.memref_slice %arg8[%dma_wait3A_24] : memref<1024xi32, #tpu.memory_space<vmem>> -> memref<512xi32, #tpu.memory_space<vmem>>
      %dma_wait3A_26 = tpu.memref_slice %arg2[%mul3A_2] : memref<16384xi32, #tpu.memory_space<hbm>> -> memref<512xi32, #tpu.memory_space<hbm>>
      %dma_wait3A_27 = arith.constant 0 : i32
      %dma_wait3A_28 = tpu.memref_slice %arg8[%dma_wait3A_27] : memref<1024xi32, #tpu.memory_space<vmem>> -> memref<512xi32, #tpu.memory_space<vmem>>
      %dma_wait3A_29 = tpu.memref_slice %arg2[%mul3A_2] : memref<16384xi32, #tpu.memory_space<hbm>> -> memref<512xi32, #tpu.memory_space<hbm>>
      tpu.wait_dma2 semaphore(%run_scoped3A : memref<!tpu.dma_semaphore, #tpu.memory_space<semaphore_mem>>) src(%dma_wait3A_29 : memref<512xi32, #tpu.memory_space<hbm>>) dst(%dma_wait3A_28 : memref<512xi32, #tpu.memory_space<vmem>>)
      tpu.yield
    }) : () -> ()
    "tpu.region"() ({
      %run_scoped3A = tpu.sem_alloc : memref<!tpu.dma_semaphore, #tpu.memory_space<semaphore_mem>>
      %dma_start3A_18 = arith.constant 512 : i32
      %dma_start3A_19 = tpu.memref_slice %arg8[%dma_start3A_18] : memref<1024xi32, #tpu.memory_space<vmem>> -> memref<512xi32, #tpu.memory_space<vmem>>
      %dma_start3A_20 = tpu.memref_slice %arg4[%mul3A_2] : memref<16384xi32, #tpu.memory_space<hbm>> -> memref<512xi32, #tpu.memory_space<hbm>>
      %dma_start3A_21 = arith.constant 512 : i32
      %dma_start3A_22 = tpu.memref_slice %arg8[%dma_start3A_21] : memref<1024xi32, #tpu.memory_space<vmem>> -> memref<512xi32, #tpu.memory_space<vmem>>
      %dma_start3A_23 = tpu.memref_slice %arg4[%mul3A_2] : memref<16384xi32, #tpu.memory_space<hbm>> -> memref<512xi32, #tpu.memory_space<hbm>>
      tpu.enqueue_dma source(%dma_start3A_23 : memref<512xi32, #tpu.memory_space<hbm>>) target(%dma_start3A_22 : memref<512xi32, #tpu.memory_space<vmem>>) target_semaphore(%run_scoped3A : memref<!tpu.dma_semaphore, #tpu.memory_space<semaphore_mem>>)
      %dma_wait3A_24 = arith.constant 512 : i32
      %dma_wait3A_25 = tpu.memref_slice %arg8[%dma_wait3A_24] : memref<1024xi32, #tpu.memory_space<vmem>> -> memref<512xi32, #tpu.memory_space<vmem>>
      %dma_wait3A_26 = tpu.memref_slice %arg4[%mul3A_2] : memref<16384xi32, #tpu.memory_space<hbm>> -> memref<512xi32, #tpu.memory_space<hbm>>
      %dma_wait3A_27 = arith.constant 512 : i32
      %dma_wait3A_28 = tpu.memref_slice %arg8[%dma_wait3A_27] : memref<1024xi32, #tpu.memory_space<vmem>> -> memref<512xi32, #tpu.memory_space<vmem>>
      %dma_wait3A_29 = tpu.memref_slice %arg4[%mul3A_2] : memref<16384xi32, #tpu.memory_space<hbm>> -> memref<512xi32, #tpu.memory_space<hbm>>
      tpu.wait_dma2 semaphore(%run_scoped3A : memref<!tpu.dma_semaphore, #tpu.memory_space<semaphore_mem>>) src(%dma_wait3A_29 : memref<512xi32, #tpu.memory_space<hbm>>) dst(%dma_wait3A_28 : memref<512xi32, #tpu.memory_space<vmem>>)
      tpu.yield
    }) : () -> ()
    "tpu.region"() ({
      %run_scoped3A = tpu.sem_alloc : memref<!tpu.dma_semaphore, #tpu.memory_space<semaphore_mem>>
      %dma_start3A_18 = tpu.memref_slice %arg3[%mul3A_2] : memref<16384xi32, #tpu.memory_space<hbm>> -> memref<512xi32, #tpu.memory_space<hbm>>
      %dma_start3A_19 = tpu.memref_slice %arg3[%mul3A_2] : memref<16384xi32, #tpu.memory_space<hbm>> -> memref<512xi32, #tpu.memory_space<hbm>>
      tpu.enqueue_dma source(%dma_start3A_19 : memref<512xi32, #tpu.memory_space<hbm>>) target(%arg9 : memref<512xi32, #tpu.memory_space<vmem>>) target_semaphore(%run_scoped3A : memref<!tpu.dma_semaphore, #tpu.memory_space<semaphore_mem>>)
      %dma_wait3A_20 = tpu.memref_slice %arg3[%mul3A_2] : memref<16384xi32, #tpu.memory_space<hbm>> -> memref<512xi32, #tpu.memory_space<hbm>>
      %dma_wait3A_21 = tpu.memref_slice %arg3[%mul3A_2] : memref<16384xi32, #tpu.memory_space<hbm>> -> memref<512xi32, #tpu.memory_space<hbm>>
      tpu.wait_dma2 semaphore(%run_scoped3A : memref<!tpu.dma_semaphore, #tpu.memory_space<semaphore_mem>>) src(%dma_wait3A_21 : memref<512xi32, #tpu.memory_space<hbm>>) dst(%arg9 : memref<512xi32, #tpu.memory_space<vmem>>)
      tpu.yield
    }) : () -> ()
    %dma_start3A = arith.constant 0 : i32
    %dma_start3A_3 = arith.constant 0 : i32
    %dma_start3A_4 = tpu.memref_slice %arg5[%dma_start3A, %dma_start3A_3] : memref<1000000x32xf32, #tpu.memory_space<hbm>> -> memref<1000000x32xf32, #tpu.memory_space<hbm>>
    tpu.enqueue_indirect_dma source(%dma_start3A_4 : memref<1000000x32xf32, #tpu.memory_space<hbm>>) target(%arg10 : memref<1024x32xf32, #tpu.memory_space<vmem>>) offsets(%arg8 : memref<1024xi32, #tpu.memory_space<vmem>>) semaphore(%arg13 : memref<!tpu.dma_semaphore, #tpu.memory_space<semaphore_mem>>)
    %dma_start3A_5 = arith.constant 0 : i32
    %dma_start3A_6 = arith.constant 0 : i32
    %dma_start3A_7 = tpu.memref_slice %arg6[%dma_start3A_5, %dma_start3A_6] : memref<1000x32xf32, #tpu.memory_space<hbm>> -> memref<1000x32xf32, #tpu.memory_space<hbm>>
    tpu.enqueue_indirect_dma source(%dma_start3A_7 : memref<1000x32xf32, #tpu.memory_space<hbm>>) target(%arg11 : memref<512x32xf32, #tpu.memory_space<vmem>>) offsets(%arg9 : memref<512xi32, #tpu.memory_space<vmem>>) semaphore(%arg13 : memref<!tpu.dma_semaphore, #tpu.memory_space<semaphore_mem>>)
    %dma_wait3A = arith.constant 0 : i32
    %dma_wait3A_8 = arith.constant 0 : i32
    %dma_wait3A_9 = tpu.memref_slice %arg5[%dma_wait3A, %dma_wait3A_8] : memref<1000000x32xf32, #tpu.memory_space<hbm>> -> memref<1000000x32xf32, #tpu.memory_space<hbm>>
    tpu.wait_indirect_dma semaphore(%arg13 : memref<!tpu.dma_semaphore, #tpu.memory_space<semaphore_mem>>) src(%dma_wait3A_9 : memref<1000000x32xf32, #tpu.memory_space<hbm>>) dst(%arg10 : memref<1024x32xf32, #tpu.memory_space<vmem>>)
    %dma_wait3A_10 = arith.constant 0 : i32
    %dma_wait3A_11 = arith.constant 0 : i32
    %dma_wait3A_12 = tpu.memref_slice %arg6[%dma_wait3A_10, %dma_wait3A_11] : memref<1000x32xf32, #tpu.memory_space<hbm>> -> memref<1000x32xf32, #tpu.memory_space<hbm>>
    tpu.wait_indirect_dma semaphore(%arg13 : memref<!tpu.dma_semaphore, #tpu.memory_space<semaphore_mem>>) src(%dma_wait3A_12 : memref<1000x32xf32, #tpu.memory_space<hbm>>) dst(%arg11 : memref<512x32xf32, #tpu.memory_space<vmem>>)
    %iota3A = tpu.iota {dimensions = array<i32: 0>} : vector<16xi32>
    %scan3A = arith.constant 0 : i32
    %scan3A_13 = arith.constant 0 : i32
    %scan3A_14 = arith.constant 32 : i32
    %scan3A_15 = arith.addi %scan3A_13, %scan3A_14 : i32
    %scan3A_16 = arith.constant 1 : i32
    scf.for %scan3A_18 = %scan3A_13 to %scan3A_15 step %scan3A_16  : i32 {
      %broadcast_in_dim3A = arith.constant 0.000000e+00 : f32
      %broadcast_in_dim3A_19 = vector.broadcast %broadcast_in_dim3A : f32 to vector<16xf32>
      %mul3A_20 = arith.constant 16 : i32
      %mul3A_21 = arith.muli %scan3A_18, %mul3A_20 : i32
      %add3A_22 = arith.constant 0 : i32
      %add3A_23 = arith.addi %mul3A_21, %add3A_22 : i32
      %get3A = arith.index_cast %add3A_23 : i32 to index
      %get3A_24 = arith.constant 0 : index
      %get3A_25 = tpu.vector_load %arg10[%get3A, %get3A_24] {strides = array<i32>} : memref<1024x32xf32, #tpu.memory_space<vmem>>, vector<16xf32>,
      %get3A_26 = arith.index_cast %add3A_23 : i32 to index
      %get3A_27 = arith.constant 16 : index
      %get3A_28 = tpu.vector_load %arg10[%get3A_26, %get3A_27] {strides = array<i32>} : memref<1024x32xf32, #tpu.memory_space<vmem>>, vector<16xf32>,
      %add3A_29 = arith.constant 512 : i32
      %add3A_30 = arith.addi %add3A_29, %add3A_23 : i32
      %get3A_31 = arith.index_cast %add3A_30 : i32 to index
      %get3A_32 = arith.constant 0 : index
      %get3A_33 = tpu.vector_load %arg10[%get3A_31, %get3A_32] {strides = array<i32>} : memref<1024x32xf32, #tpu.memory_space<vmem>>, vector<16xf32>,
      %add3A_34 = arith.constant 512 : i32
      %add3A_35 = arith.addi %add3A_34, %add3A_23 : i32
      %get3A_36 = arith.index_cast %add3A_35 : i32 to index
      %get3A_37 = arith.constant 16 : index
      %get3A_38 = tpu.vector_load %arg10[%get3A_36, %get3A_37] {strides = array<i32>} : memref<1024x32xf32, #tpu.memory_space<vmem>>, vector<16xf32>,
      %get3A_39 = arith.index_cast %add3A_23 : i32 to index
      %get3A_40 = arith.constant 0 : index
      %get3A_41 = tpu.vector_load %arg11[%get3A_39, %get3A_40] {strides = array<i32>} : memref<512x32xf32, #tpu.memory_space<vmem>>, vector<16xf32>,
      %get3A_42 = arith.index_cast %add3A_23 : i32 to index
      %get3A_43 = arith.constant 16 : index
      %get3A_44 = tpu.vector_load %arg11[%get3A_42, %get3A_43] {strides = array<i32>} : memref<512x32xf32, #tpu.memory_space<vmem>>, vector<16xf32>,
      %add3A_45 = arith.addf %get3A_25, %get3A_41 : vector<16xf32>
      %sub3A = arith.subf %add3A_45, %get3A_33 : vector<16xf32>
      %abs3A = math.absf %sub3A : vector<16xf32>
      %add3A_46 = arith.addf %get3A_28, %get3A_44 : vector<16xf32>
      %sub3A_47 = arith.subf %add3A_46, %get3A_38 : vector<16xf32>
      %abs3A_48 = math.absf %sub3A_47 : vector<16xf32>
      %add3A_49 = arith.addf %abs3A, %abs3A_48 : vector<16xf32>
      %reduce_sum3A = arith.constant true
      %reduce_sum3A_50 = vector.broadcast %reduce_sum3A : i1 to vector<16xi1>
      %reduce_sum3A_51 = tpu.scan <sum>, %add3A_49 masked %reduce_sum3A_50 : vector<16xf32>, vector<16xi1> -> vector<16xf32>
      %reduce_sum3A_52 = vector.extract %reduce_sum3A_51[15] : f32 from vector<16xf32>
      %eq3A = arith.constant 0 : i32
      %eq3A_53 = vector.broadcast %eq3A : i32 to vector<16xi32>
      %eq3A_54 = arith.cmpi eq, %iota3A, %eq3A_53 : vector<16xi32>
      %broadcast_in_dim3A_55 = vector.broadcast %reduce_sum3A_52 : f32 to vector<16xf32>
      %select_n3A = arith.select %eq3A_54, %broadcast_in_dim3A_55, %broadcast_in_dim3A_19 : vector<16xi1>, vector<16xf32>
      %mul3A_56 = arith.constant 16 : i32
      %mul3A_57 = arith.muli %scan3A_18, %mul3A_56 : i32
      %add3A_58 = arith.constant 1 : i32
      %add3A_59 = arith.addi %mul3A_57, %add3A_58 : i32
      %get3A_60 = arith.index_cast %add3A_59 : i32 to index
      %get3A_61 = arith.constant 0 : index
      %get3A_62 = tpu.vector_load %arg10[%get3A_60, %get3A_61] {strides = array<i32>} : memref<1024x32xf32, #tpu.memory_space<vmem>>, vector<16xf32>,
      %get3A_63 = arith.index_cast %add3A_59 : i32 to index
      %get3A_64 = arith.constant 16 : index
      %get3A_65 = tpu.vector_load %arg10[%get3A_63, %get3A_64] {strides = array<i32>} : memref<1024x32xf32, #tpu.memory_space<vmem>>, vector<16xf32>,
      %add3A_66 = arith.constant 512 : i32
      %add3A_67 = arith.addi %add3A_66, %add3A_59 : i32
      %get3A_68 = arith.index_cast %add3A_67 : i32 to index
      %get3A_69 = arith.constant 0 : index
      %get3A_70 = tpu.vector_load %arg10[%get3A_68, %get3A_69] {strides = array<i32>} : memref<1024x32xf32, #tpu.memory_space<vmem>>, vector<16xf32>,
      %add3A_71 = arith.constant 512 : i32
      %add3A_72 = arith.addi %add3A_71, %add3A_59 : i32
      %get3A_73 = arith.index_cast %add3A_72 : i32 to index
      %get3A_74 = arith.constant 16 : index
      %get3A_75 = tpu.vector_load %arg10[%get3A_73, %get3A_74] {strides = array<i32>} : memref<1024x32xf32, #tpu.memory_space<vmem>>, vector<16xf32>,
      %get3A_76 = arith.index_cast %add3A_59 : i32 to index
      %get3A_77 = arith.constant 0 : index
      %get3A_78 = tpu.vector_load %arg11[%get3A_76, %get3A_77] {strides = array<i32>} : memref<512x32xf32, #tpu.memory_space<vmem>>, vector<16xf32>,
      %get3A_79 = arith.index_cast %add3A_59 : i32 to index
      %get3A_80 = arith.constant 16 : index
      %get3A_81 = tpu.vector_load %arg11[%get3A_79, %get3A_80] {strides = array<i32>} : memref<512x32xf32, #tpu.memory_space<vmem>>, vector<16xf32>,
      %add3A_82 = arith.addf %get3A_62, %get3A_78 : vector<16xf32>
      %sub3A_83 = arith.subf %add3A_82, %get3A_70 : vector<16xf32>
      %abs3A_84 = math.absf %sub3A_83 : vector<16xf32>
      %add3A_85 = arith.addf %get3A_65, %get3A_81 : vector<16xf32>
      %sub3A_86 = arith.subf %add3A_85, %get3A_75 : vector<16xf32>
      %abs3A_87 = math.absf %sub3A_86 : vector<16xf32>
      %add3A_88 = arith.addf %abs3A_84, %abs3A_87 : vector<16xf32>
      %reduce_sum3A_89 = arith.constant true
      %reduce_sum3A_90 = vector.broadcast %reduce_sum3A_89 : i1 to vector<16xi1>
      %reduce_sum3A_91 = tpu.scan <sum>, %add3A_88 masked %reduce_sum3A_90 : vector<16xf32>, vector<16xi1> -> vector<16xf32>
      %reduce_sum3A_92 = vector.extract %reduce_sum3A_91[15] : f32 from vector<16xf32>
      %eq3A_93 = arith.constant 1 : i32
      %eq3A_94 = vector.broadcast %eq3A_93 : i32 to vector<16xi32>
      %eq3A_95 = arith.cmpi eq, %iota3A, %eq3A_94 : vector<16xi32>
      %broadcast_in_dim3A_96 = vector.broadcast %reduce_sum3A_92 : f32 to vector<16xf32>
      %select_n3A_97 = arith.select %eq3A_95, %broadcast_in_dim3A_96, %select_n3A : vector<16xi1>, vector<16xf32>
      %mul3A_98 = arith.constant 16 : i32
      %mul3A_99 = arith.muli %scan3A_18, %mul3A_98 : i32
      %add3A_100 = arith.constant 2 : i32
      %add3A_101 = arith.addi %mul3A_99, %add3A_100 : i32
      %get3A_102 = arith.index_cast %add3A_101 : i32 to index
      %get3A_103 = arith.constant 0 : index
      %get3A_104 = tpu.vector_load %arg10[%get3A_102, %get3A_103] {strides = array<i32>} : memref<1024x32xf32, #tpu.memory_space<vmem>>, vector<16xf32>,
      %get3A_105 = arith.index_cast %add3A_101 : i32 to index
      %get3A_106 = arith.constant 16 : index
      %get3A_107 = tpu.vector_load %arg10[%get3A_105, %get3A_106] {strides = array<i32>} : memref<1024x32xf32, #tpu.memory_space<vmem>>, vector<16xf32>,
      %add3A_108 = arith.constant 512 : i32
      %add3A_109 = arith.addi %add3A_108, %add3A_101 : i32
      %get3A_110 = arith.index_cast %add3A_109 : i32 to index
      %get3A_111 = arith.constant 0 : index
      %get3A_112 = tpu.vector_load %arg10[%get3A_110, %get3A_111] {strides = array<i32>} : memref<1024x32xf32, #tpu.memory_space<vmem>>, vector<16xf32>,
      %add3A_113 = arith.constant 512 : i32
      %add3A_114 = arith.addi %add3A_113, %add3A_101 : i32
      %get3A_115 = arith.index_cast %add3A_114 : i32 to index
      %get3A_116 = arith.constant 16 : index
      %get3A_117 = tpu.vector_load %arg10[%get3A_115, %get3A_116] {strides = array<i32>} : memref<1024x32xf32, #tpu.memory_space<vmem>>, vector<16xf32>,
      %get3A_118 = arith.index_cast %add3A_101 : i32 to index
      %get3A_119 = arith.constant 0 : index
      %get3A_120 = tpu.vector_load %arg11[%get3A_118, %get3A_119] {strides = array<i32>} : memref<512x32xf32, #tpu.memory_space<vmem>>, vector<16xf32>,
      %get3A_121 = arith.index_cast %add3A_101 : i32 to index
      %get3A_122 = arith.constant 16 : index
      %get3A_123 = tpu.vector_load %arg11[%get3A_121, %get3A_122] {strides = array<i32>} : memref<512x32xf32, #tpu.memory_space<vmem>>, vector<16xf32>,
      %add3A_124 = arith.addf %get3A_104, %get3A_120 : vector<16xf32>
      %sub3A_125 = arith.subf %add3A_124, %get3A_112 : vector<16xf32>
      %abs3A_126 = math.absf %sub3A_125 : vector<16xf32>
      %add3A_127 = arith.addf %get3A_107, %get3A_123 : vector<16xf32>
      %sub3A_128 = arith.subf %add3A_127, %get3A_117 : vector<16xf32>
      %abs3A_129 = math.absf %sub3A_128 : vector<16xf32>
      %add3A_130 = arith.addf %abs3A_126, %abs3A_129 : vector<16xf32>
      %reduce_sum3A_131 = arith.constant true
      %reduce_sum3A_132 = vector.broadcast %reduce_sum3A_131 : i1 to vector<16xi1>
      %reduce_sum3A_133 = tpu.scan <sum>, %add3A_130 masked %reduce_sum3A_132 : vector<16xf32>, vector<16xi1> -> vector<16xf32>
      %reduce_sum3A_134 = vector.extract %reduce_sum3A_133[15] : f32 from vector<16xf32>
      %eq3A_135 = arith.constant 2 : i32
      %eq3A_136 = vector.broadcast %eq3A_135 : i32 to vector<16xi32>
      %eq3A_137 = arith.cmpi eq, %iota3A, %eq3A_136 : vector<16xi32>
      %broadcast_in_dim3A_138 = vector.broadcast %reduce_sum3A_134 : f32 to vector<16xf32>
      %select_n3A_139 = arith.select %eq3A_137, %broadcast_in_dim3A_138, %select_n3A_97 : vector<16xi1>, vector<16xf32>
      %mul3A_140 = arith.constant 16 : i32
      %mul3A_141 = arith.muli %scan3A_18, %mul3A_140 : i32
      %add3A_142 = arith.constant 3 : i32
      %add3A_143 = arith.addi %mul3A_141, %add3A_142 : i32
      %get3A_144 = arith.index_cast %add3A_143 : i32 to index
      %get3A_145 = arith.constant 0 : index
      %get3A_146 = tpu.vector_load %arg10[%get3A_144, %get3A_145] {strides = array<i32>} : memref<1024x32xf32, #tpu.memory_space<vmem>>, vector<16xf32>,
      %get3A_147 = arith.index_cast %add3A_143 : i32 to index
      %get3A_148 = arith.constant 16 : index
      %get3A_149 = tpu.vector_load %arg10[%get3A_147, %get3A_148] {strides = array<i32>} : memref<1024x32xf32, #tpu.memory_space<vmem>>, vector<16xf32>,
      %add3A_150 = arith.constant 512 : i32
      %add3A_151 = arith.addi %add3A_150, %add3A_143 : i32
      %get3A_152 = arith.index_cast %add3A_151 : i32 to index
      %get3A_153 = arith.constant 0 : index
      %get3A_154 = tpu.vector_load %arg10[%get3A_152, %get3A_153] {strides = array<i32>} : memref<1024x32xf32, #tpu.memory_space<vmem>>, vector<16xf32>,
      %add3A_155 = arith.constant 512 : i32
      %add3A_156 = arith.addi %add3A_155, %add3A_143 : i32
      %get3A_157 = arith.index_cast %add3A_156 : i32 to index
      %get3A_158 = arith.constant 16 : index
      %get3A_159 = tpu.vector_load %arg10[%get3A_157, %get3A_158] {strides = array<i32>} : memref<1024x32xf32, #tpu.memory_space<vmem>>, vector<16xf32>,
      %get3A_160 = arith.index_cast %add3A_143 : i32 to index
      %get3A_161 = arith.constant 0 : index
      %get3A_162 = tpu.vector_load %arg11[%get3A_160, %get3A_161] {strides = array<i32>} : memref<512x32xf32, #tpu.memory_space<vmem>>, vector<16xf32>,
      %get3A_163 = arith.index_cast %add3A_143 : i32 to index
      %get3A_164 = arith.constant 16 : index
      %get3A_165 = tpu.vector_load %arg11[%get3A_163, %get3A_164] {strides = array<i32>} : memref<512x32xf32, #tpu.memory_space<vmem>>, vector<16xf32>,
      %add3A_166 = arith.addf %get3A_146, %get3A_162 : vector<16xf32>
      %sub3A_167 = arith.subf %add3A_166, %get3A_154 : vector<16xf32>
      %abs3A_168 = math.absf %sub3A_167 : vector<16xf32>
      %add3A_169 = arith.addf %get3A_149, %get3A_165 : vector<16xf32>
      %sub3A_170 = arith.subf %add3A_169, %get3A_159 : vector<16xf32>
      %abs3A_171 = math.absf %sub3A_170 : vector<16xf32>
      %add3A_172 = arith.addf %abs3A_168, %abs3A_171 : vector<16xf32>
      %reduce_sum3A_173 = arith.constant true
      %reduce_sum3A_174 = vector.broadcast %reduce_sum3A_173 : i1 to vector<16xi1>
      %reduce_sum3A_175 = tpu.scan <sum>, %add3A_172 masked %reduce_sum3A_174 : vector<16xf32>, vector<16xi1> -> vector<16xf32>
      %reduce_sum3A_176 = vector.extract %reduce_sum3A_175[15] : f32 from vector<16xf32>
      %eq3A_177 = arith.constant 3 : i32
      %eq3A_178 = vector.broadcast %eq3A_177 : i32 to vector<16xi32>
      %eq3A_179 = arith.cmpi eq, %iota3A, %eq3A_178 : vector<16xi32>
      %broadcast_in_dim3A_180 = vector.broadcast %reduce_sum3A_176 : f32 to vector<16xf32>
      %select_n3A_181 = arith.select %eq3A_179, %broadcast_in_dim3A_180, %select_n3A_139 : vector<16xi1>, vector<16xf32>
      %mul3A_182 = arith.constant 16 : i32
      %mul3A_183 = arith.muli %scan3A_18, %mul3A_182 : i32
      %add3A_184 = arith.constant 4 : i32
      %add3A_185 = arith.addi %mul3A_183, %add3A_184 : i32
      %get3A_186 = arith.index_cast %add3A_185 : i32 to index
      %get3A_187 = arith.constant 0 : index
      %get3A_188 = tpu.vector_load %arg10[%get3A_186, %get3A_187] {strides = array<i32>} : memref<1024x32xf32, #tpu.memory_space<vmem>>, vector<16xf32>,
      %get3A_189 = arith.index_cast %add3A_185 : i32 to index
      %get3A_190 = arith.constant 16 : index
      %get3A_191 = tpu.vector_load %arg10[%get3A_189, %get3A_190] {strides = array<i32>} : memref<1024x32xf32, #tpu.memory_space<vmem>>, vector<16xf32>,
      %add3A_192 = arith.constant 512 : i32
      %add3A_193 = arith.addi %add3A_192, %add3A_185 : i32
      %get3A_194 = arith.index_cast %add3A_193 : i32 to index
      %get3A_195 = arith.constant 0 : index
      %get3A_196 = tpu.vector_load %arg10[%get3A_194, %get3A_195] {strides = array<i32>} : memref<1024x32xf32, #tpu.memory_space<vmem>>, vector<16xf32>,
      %add3A_197 = arith.constant 512 : i32
      %add3A_198 = arith.addi %add3A_197, %add3A_185 : i32
      %get3A_199 = arith.index_cast %add3A_198 : i32 to index
      %get3A_200 = arith.constant 16 : index
      %get3A_201 = tpu.vector_load %arg10[%get3A_199, %get3A_200] {strides = array<i32>} : memref<1024x32xf32, #tpu.memory_space<vmem>>, vector<16xf32>,
      %get3A_202 = arith.index_cast %add3A_185 : i32 to index
      %get3A_203 = arith.constant 0 : index
      %get3A_204 = tpu.vector_load %arg11[%get3A_202, %get3A_203] {strides = array<i32>} : memref<512x32xf32, #tpu.memory_space<vmem>>, vector<16xf32>,
      %get3A_205 = arith.index_cast %add3A_185 : i32 to index
      %get3A_206 = arith.constant 16 : index
      %get3A_207 = tpu.vector_load %arg11[%get3A_205, %get3A_206] {strides = array<i32>} : memref<512x32xf32, #tpu.memory_space<vmem>>, vector<16xf32>,
      %add3A_208 = arith.addf %get3A_188, %get3A_204 : vector<16xf32>
      %sub3A_209 = arith.subf %add3A_208, %get3A_196 : vector<16xf32>
      %abs3A_210 = math.absf %sub3A_209 : vector<16xf32>
      %add3A_211 = arith.addf %get3A_191, %get3A_207 : vector<16xf32>
      %sub3A_212 = arith.subf %add3A_211, %get3A_201 : vector<16xf32>
      %abs3A_213 = math.absf %sub3A_212 : vector<16xf32>
      %add3A_214 = arith.addf %abs3A_210, %abs3A_213 : vector<16xf32>
      %reduce_sum3A_215 = arith.constant true
      %reduce_sum3A_216 = vector.broadcast %reduce_sum3A_215 : i1 to vector<16xi1>
      %reduce_sum3A_217 = tpu.scan <sum>, %add3A_214 masked %reduce_sum3A_216 : vector<16xf32>, vector<16xi1> -> vector<16xf32>
      %reduce_sum3A_218 = vector.extract %reduce_sum3A_217[15] : f32 from vector<16xf32>
      %eq3A_219 = arith.constant 4 : i32
      %eq3A_220 = vector.broadcast %eq3A_219 : i32 to vector<16xi32>
      %eq3A_221 = arith.cmpi eq, %iota3A, %eq3A_220 : vector<16xi32>
      %broadcast_in_dim3A_222 = vector.broadcast %reduce_sum3A_218 : f32 to vector<16xf32>
      %select_n3A_223 = arith.select %eq3A_221, %broadcast_in_dim3A_222, %select_n3A_181 : vector<16xi1>, vector<16xf32>
      %mul3A_224 = arith.constant 16 : i32
      %mul3A_225 = arith.muli %scan3A_18, %mul3A_224 : i32
      %add3A_226 = arith.constant 5 : i32
      %add3A_227 = arith.addi %mul3A_225, %add3A_226 : i32
      %get3A_228 = arith.index_cast %add3A_227 : i32 to index
      %get3A_229 = arith.constant 0 : index
      %get3A_230 = tpu.vector_load %arg10[%get3A_228, %get3A_229] {strides = array<i32>} : memref<1024x32xf32, #tpu.memory_space<vmem>>, vector<16xf32>,
      %get3A_231 = arith.index_cast %add3A_227 : i32 to index
      %get3A_232 = arith.constant 16 : index
      %get3A_233 = tpu.vector_load %arg10[%get3A_231, %get3A_232] {strides = array<i32>} : memref<1024x32xf32, #tpu.memory_space<vmem>>, vector<16xf32>,
      %add3A_234 = arith.constant 512 : i32
      %add3A_235 = arith.addi %add3A_234, %add3A_227 : i32
      %get3A_236 = arith.index_cast %add3A_235 : i32 to index
      %get3A_237 = arith.constant 0 : index
      %get3A_238 = tpu.vector_load %arg10[%get3A_236, %get3A_237] {strides = array<i32>} : memref<1024x32xf32, #tpu.memory_space<vmem>>, vector<16xf32>,
      %add3A_239 = arith.constant 512 : i32
      %add3A_240 = arith.addi %add3A_239, %add3A_227 : i32
      %get3A_241 = arith.index_cast %add3A_240 : i32 to index
      %get3A_242 = arith.constant 16 : index
      %get3A_243 = tpu.vector_load %arg10[%get3A_241, %get3A_242] {strides = array<i32>} : memref<1024x32xf32, #tpu.memory_space<vmem>>, vector<16xf32>,
      %get3A_244 = arith.index_cast %add3A_227 : i32 to index
      %get3A_245 = arith.constant 0 : index
      %get3A_246 = tpu.vector_load %arg11[%get3A_244, %get3A_245] {strides = array<i32>} : memref<512x32xf32, #tpu.memory_space<vmem>>, vector<16xf32>,
      %get3A_247 = arith.index_cast %add3A_227 : i32 to index
      %get3A_248 = arith.constant 16 : index
      %get3A_249 = tpu.vector_load %arg11[%get3A_247, %get3A_248] {strides = array<i32>} : memref<512x32xf32, #tpu.memory_space<vmem>>, vector<16xf32>,
      %add3A_250 = arith.addf %get3A_230, %get3A_246 : vector<16xf32>
      %sub3A_251 = arith.subf %add3A_250, %get3A_238 : vector<16xf32>
      %abs3A_252 = math.absf %sub3A_251 : vector<16xf32>
      %add3A_253 = arith.addf %get3A_233, %get3A_249 : vector<16xf32>
      %sub3A_254 = arith.subf %add3A_253, %get3A_243 : vector<16xf32>
      %abs3A_255 = math.absf %sub3A_254 : vector<16xf32>
      %add3A_256 = arith.addf %abs3A_252, %abs3A_255 : vector<16xf32>
      %reduce_sum3A_257 = arith.constant true
      %reduce_sum3A_258 = vector.broadcast %reduce_sum3A_257 : i1 to vector<16xi1>
      %reduce_sum3A_259 = tpu.scan <sum>, %add3A_256 masked %reduce_sum3A_258 : vector<16xf32>, vector<16xi1> -> vector<16xf32>
      %reduce_sum3A_260 = vector.extract %reduce_sum3A_259[15] : f32 from vector<16xf32>
      %eq3A_261 = arith.constant 5 : i32
      %eq3A_262 = vector.broadcast %eq3A_261 : i32 to vector<16xi32>
      %eq3A_263 = arith.cmpi eq, %iota3A, %eq3A_262 : vector<16xi32>
      %broadcast_in_dim3A_264 = vector.broadcast %reduce_sum3A_260 : f32 to vector<16xf32>
      %select_n3A_265 = arith.select %eq3A_263, %broadcast_in_dim3A_264, %select_n3A_223 : vector<16xi1>, vector<16xf32>
      %mul3A_266 = arith.constant 16 : i32
      %mul3A_267 = arith.muli %scan3A_18, %mul3A_266 : i32
      %add3A_268 = arith.constant 6 : i32
      %add3A_269 = arith.addi %mul3A_267, %add3A_268 : i32
      %get3A_270 = arith.index_cast %add3A_269 : i32 to index
      %get3A_271 = arith.constant 0 : index
      %get3A_272 = tpu.vector_load %arg10[%get3A_270, %get3A_271] {strides = array<i32>} : memref<1024x32xf32, #tpu.memory_space<vmem>>, vector<16xf32>,
      %get3A_273 = arith.index_cast %add3A_269 : i32 to index
      %get3A_274 = arith.constant 16 : index
      %get3A_275 = tpu.vector_load %arg10[%get3A_273, %get3A_274] {strides = array<i32>} : memref<1024x32xf32, #tpu.memory_space<vmem>>, vector<16xf32>,
      %add3A_276 = arith.constant 512 : i32
      %add3A_277 = arith.addi %add3A_276, %add3A_269 : i32
      %get3A_278 = arith.index_cast %add3A_277 : i32 to index
      %get3A_279 = arith.constant 0 : index
      %get3A_280 = tpu.vector_load %arg10[%get3A_278, %get3A_279] {strides = array<i32>} : memref<1024x32xf32, #tpu.memory_space<vmem>>, vector<16xf32>,
      %add3A_281 = arith.constant 512 : i32
      %add3A_282 = arith.addi %add3A_281, %add3A_269 : i32
      %get3A_283 = arith.index_cast %add3A_282 : i32 to index
      %get3A_284 = arith.constant 16 : index
      %get3A_285 = tpu.vector_load %arg10[%get3A_283, %get3A_284] {strides = array<i32>} : memref<1024x32xf32, #tpu.memory_space<vmem>>, vector<16xf32>,
      %get3A_286 = arith.index_cast %add3A_269 : i32 to index
      %get3A_287 = arith.constant 0 : index
      %get3A_288 = tpu.vector_load %arg11[%get3A_286, %get3A_287] {strides = array<i32>} : memref<512x32xf32, #tpu.memory_space<vmem>>, vector<16xf32>,
      %get3A_289 = arith.index_cast %add3A_269 : i32 to index
      %get3A_290 = arith.constant 16 : index
      %get3A_291 = tpu.vector_load %arg11[%get3A_289, %get3A_290] {strides = array<i32>} : memref<512x32xf32, #tpu.memory_space<vmem>>, vector<16xf32>,
      %add3A_292 = arith.addf %get3A_272, %get3A_288 : vector<16xf32>
      %sub3A_293 = arith.subf %add3A_292, %get3A_280 : vector<16xf32>
      %abs3A_294 = math.absf %sub3A_293 : vector<16xf32>
      %add3A_295 = arith.addf %get3A_275, %get3A_291 : vector<16xf32>
      %sub3A_296 = arith.subf %add3A_295, %get3A_285 : vector<16xf32>
      %abs3A_297 = math.absf %sub3A_296 : vector<16xf32>
      %add3A_298 = arith.addf %abs3A_294, %abs3A_297 : vector<16xf32>
      %reduce_sum3A_299 = arith.constant true
      %reduce_sum3A_300 = vector.broadcast %reduce_sum3A_299 : i1 to vector<16xi1>
      %reduce_sum3A_301 = tpu.scan <sum>, %add3A_298 masked %reduce_sum3A_300 : vector<16xf32>, vector<16xi1> -> vector<16xf32>
      %reduce_sum3A_302 = vector.extract %reduce_sum3A_301[15] : f32 from vector<16xf32>
      %eq3A_303 = arith.constant 6 : i32
      %eq3A_304 = vector.broadcast %eq3A_303 : i32 to vector<16xi32>
      %eq3A_305 = arith.cmpi eq, %iota3A, %eq3A_304 : vector<16xi32>
      %broadcast_in_dim3A_306 = vector.broadcast %reduce_sum3A_302 : f32 to vector<16xf32>
      %select_n3A_307 = arith.select %eq3A_305, %broadcast_in_dim3A_306, %select_n3A_265 : vector<16xi1>, vector<16xf32>
      %mul3A_308 = arith.constant 16 : i32
      %mul3A_309 = arith.muli %scan3A_18, %mul3A_308 : i32
      %add3A_310 = arith.constant 7 : i32
      %add3A_311 = arith.addi %mul3A_309, %add3A_310 : i32
      %get3A_312 = arith.index_cast %add3A_311 : i32 to index
      %get3A_313 = arith.constant 0 : index
      %get3A_314 = tpu.vector_load %arg10[%get3A_312, %get3A_313] {strides = array<i32>} : memref<1024x32xf32, #tpu.memory_space<vmem>>, vector<16xf32>,
      %get3A_315 = arith.index_cast %add3A_311 : i32 to index
      %get3A_316 = arith.constant 16 : index
      %get3A_317 = tpu.vector_load %arg10[%get3A_315, %get3A_316] {strides = array<i32>} : memref<1024x32xf32, #tpu.memory_space<vmem>>, vector<16xf32>,
      %add3A_318 = arith.constant 512 : i32
      %add3A_319 = arith.addi %add3A_318, %add3A_311 : i32
      %get3A_320 = arith.index_cast %add3A_319 : i32 to index
      %get3A_321 = arith.constant 0 : index
      %get3A_322 = tpu.vector_load %arg10[%get3A_320, %get3A_321] {strides = array<i32>} : memref<1024x32xf32, #tpu.memory_space<vmem>>, vector<16xf32>,
      %add3A_323 = arith.constant 512 : i32
      %add3A_324 = arith.addi %add3A_323, %add3A_311 : i32
      %get3A_325 = arith.index_cast %add3A_324 : i32 to index
      %get3A_326 = arith.constant 16 : index
      %get3A_327 = tpu.vector_load %arg10[%get3A_325, %get3A_326] {strides = array<i32>} : memref<1024x32xf32, #tpu.memory_space<vmem>>, vector<16xf32>,
      %get3A_328 = arith.index_cast %add3A_311 : i32 to index
      %get3A_329 = arith.constant 0 : index
      %get3A_330 = tpu.vector_load %arg11[%get3A_328, %get3A_329] {strides = array<i32>} : memref<512x32xf32, #tpu.memory_space<vmem>>, vector<16xf32>,
      %get3A_331 = arith.index_cast %add3A_311 : i32 to index
      %get3A_332 = arith.constant 16 : index
      %get3A_333 = tpu.vector_load %arg11[%get3A_331, %get3A_332] {strides = array<i32>} : memref<512x32xf32, #tpu.memory_space<vmem>>, vector<16xf32>,
      %add3A_334 = arith.addf %get3A_314, %get3A_330 : vector<16xf32>
      %sub3A_335 = arith.subf %add3A_334, %get3A_322 : vector<16xf32>
      %abs3A_336 = math.absf %sub3A_335 : vector<16xf32>
      %add3A_337 = arith.addf %get3A_317, %get3A_333 : vector<16xf32>
      %sub3A_338 = arith.subf %add3A_337, %get3A_327 : vector<16xf32>
      %abs3A_339 = math.absf %sub3A_338 : vector<16xf32>
      %add3A_340 = arith.addf %abs3A_336, %abs3A_339 : vector<16xf32>
      %reduce_sum3A_341 = arith.constant true
      %reduce_sum3A_342 = vector.broadcast %reduce_sum3A_341 : i1 to vector<16xi1>
      %reduce_sum3A_343 = tpu.scan <sum>, %add3A_340 masked %reduce_sum3A_342 : vector<16xf32>, vector<16xi1> -> vector<16xf32>
      %reduce_sum3A_344 = vector.extract %reduce_sum3A_343[15] : f32 from vector<16xf32>
      %eq3A_345 = arith.constant 7 : i32
      %eq3A_346 = vector.broadcast %eq3A_345 : i32 to vector<16xi32>
      %eq3A_347 = arith.cmpi eq, %iota3A, %eq3A_346 : vector<16xi32>
      %broadcast_in_dim3A_348 = vector.broadcast %reduce_sum3A_344 : f32 to vector<16xf32>
      %select_n3A_349 = arith.select %eq3A_347, %broadcast_in_dim3A_348, %select_n3A_307 : vector<16xi1>, vector<16xf32>
      %mul3A_350 = arith.constant 16 : i32
      %mul3A_351 = arith.muli %scan3A_18, %mul3A_350 : i32
      %add3A_352 = arith.constant 8 : i32
      %add3A_353 = arith.addi %mul3A_351, %add3A_352 : i32
      %get3A_354 = arith.index_cast %add3A_353 : i32 to index
      %get3A_355 = arith.constant 0 : index
      %get3A_356 = tpu.vector_load %arg10[%get3A_354, %get3A_355] {strides = array<i32>} : memref<1024x32xf32, #tpu.memory_space<vmem>>, vector<16xf32>,
      %get3A_357 = arith.index_cast %add3A_353 : i32 to index
      %get3A_358 = arith.constant 16 : index
      %get3A_359 = tpu.vector_load %arg10[%get3A_357, %get3A_358] {strides = array<i32>} : memref<1024x32xf32, #tpu.memory_space<vmem>>, vector<16xf32>,
      %add3A_360 = arith.constant 512 : i32
      %add3A_361 = arith.addi %add3A_360, %add3A_353 : i32
      %get3A_362 = arith.index_cast %add3A_361 : i32 to index
      %get3A_363 = arith.constant 0 : index
      %get3A_364 = tpu.vector_load %arg10[%get3A_362, %get3A_363] {strides = array<i32>} : memref<1024x32xf32, #tpu.memory_space<vmem>>, vector<16xf32>,
      %add3A_365 = arith.constant 512 : i32
      %add3A_366 = arith.addi %add3A_365, %add3A_353 : i32
      %get3A_367 = arith.index_cast %add3A_366 : i32 to index
      %get3A_368 = arith.constant 16 : index
      %get3A_369 = tpu.vector_load %arg10[%get3A_367, %get3A_368] {strides = array<i32>} : memref<1024x32xf32, #tpu.memory_space<vmem>>, vector<16xf32>,
      %get3A_370 = arith.index_cast %add3A_353 : i32 to index
      %get3A_371 = arith.constant 0 : index
      %get3A_372 = tpu.vector_load %arg11[%get3A_370, %get3A_371] {strides = array<i32>} : memref<512x32xf32, #tpu.memory_space<vmem>>, vector<16xf32>,
      %get3A_373 = arith.index_cast %add3A_353 : i32 to index
      %get3A_374 = arith.constant 16 : index
      %get3A_375 = tpu.vector_load %arg11[%get3A_373, %get3A_374] {strides = array<i32>} : memref<512x32xf32, #tpu.memory_space<vmem>>, vector<16xf32>,
      %add3A_376 = arith.addf %get3A_356, %get3A_372 : vector<16xf32>
      %sub3A_377 = arith.subf %add3A_376, %get3A_364 : vector<16xf32>
      %abs3A_378 = math.absf %sub3A_377 : vector<16xf32>
      %add3A_379 = arith.addf %get3A_359, %get3A_375 : vector<16xf32>
      %sub3A_380 = arith.subf %add3A_379, %get3A_369 : vector<16xf32>
      %abs3A_381 = math.absf %sub3A_380 : vector<16xf32>
      %add3A_382 = arith.addf %abs3A_378, %abs3A_381 : vector<16xf32>
      %reduce_sum3A_383 = arith.constant true
      %reduce_sum3A_384 = vector.broadcast %reduce_sum3A_383 : i1 to vector<16xi1>
      %reduce_sum3A_385 = tpu.scan <sum>, %add3A_382 masked %reduce_sum3A_384 : vector<16xf32>, vector<16xi1> -> vector<16xf32>
      %reduce_sum3A_386 = vector.extract %reduce_sum3A_385[15] : f32 from vector<16xf32>
      %eq3A_387 = arith.constant 8 : i32
      %eq3A_388 = vector.broadcast %eq3A_387 : i32 to vector<16xi32>
      %eq3A_389 = arith.cmpi eq, %iota3A, %eq3A_388 : vector<16xi32>
      %broadcast_in_dim3A_390 = vector.broadcast %reduce_sum3A_386 : f32 to vector<16xf32>
      %select_n3A_391 = arith.select %eq3A_389, %broadcast_in_dim3A_390, %select_n3A_349 : vector<16xi1>, vector<16xf32>
      %mul3A_392 = arith.constant 16 : i32
      %mul3A_393 = arith.muli %scan3A_18, %mul3A_392 : i32
      %add3A_394 = arith.constant 9 : i32
      %add3A_395 = arith.addi %mul3A_393, %add3A_394 : i32
      %get3A_396 = arith.index_cast %add3A_395 : i32 to index
      %get3A_397 = arith.constant 0 : index
      %get3A_398 = tpu.vector_load %arg10[%get3A_396, %get3A_397] {strides = array<i32>} : memref<1024x32xf32, #tpu.memory_space<vmem>>, vector<16xf32>,
      %get3A_399 = arith.index_cast %add3A_395 : i32 to index
      %get3A_400 = arith.constant 16 : index
      %get3A_401 = tpu.vector_load %arg10[%get3A_399, %get3A_400] {strides = array<i32>} : memref<1024x32xf32, #tpu.memory_space<vmem>>, vector<16xf32>,
      %add3A_402 = arith.constant 512 : i32
      %add3A_403 = arith.addi %add3A_402, %add3A_395 : i32
      %get3A_404 = arith.index_cast %add3A_403 : i32 to index
      %get3A_405 = arith.constant 0 : index
      %get3A_406 = tpu.vector_load %arg10[%get3A_404, %get3A_405] {strides = array<i32>} : memref<1024x32xf32, #tpu.memory_space<vmem>>, vector<16xf32>,
      %add3A_407 = arith.constant 512 : i32
      %add3A_408 = arith.addi %add3A_407, %add3A_395 : i32
      %get3A_409 = arith.index_cast %add3A_408 : i32 to index
      %get3A_410 = arith.constant 16 : index
      %get3A_411 = tpu.vector_load %arg10[%get3A_409, %get3A_410] {strides = array<i32>} : memref<1024x32xf32, #tpu.memory_space<vmem>>, vector<16xf32>,
      %get3A_412 = arith.index_cast %add3A_395 : i32 to index
      %get3A_413 = arith.constant 0 : index
      %get3A_414 = tpu.vector_load %arg11[%get3A_412, %get3A_413] {strides = array<i32>} : memref<512x32xf32, #tpu.memory_space<vmem>>, vector<16xf32>,
      %get3A_415 = arith.index_cast %add3A_395 : i32 to index
      %get3A_416 = arith.constant 16 : index
      %get3A_417 = tpu.vector_load %arg11[%get3A_415, %get3A_416] {strides = array<i32>} : memref<512x32xf32, #tpu.memory_space<vmem>>, vector<16xf32>,
      %add3A_418 = arith.addf %get3A_398, %get3A_414 : vector<16xf32>
      %sub3A_419 = arith.subf %add3A_418, %get3A_406 : vector<16xf32>
      %abs3A_420 = math.absf %sub3A_419 : vector<16xf32>
      %add3A_421 = arith.addf %get3A_401, %get3A_417 : vector<16xf32>
      %sub3A_422 = arith.subf %add3A_421, %get3A_411 : vector<16xf32>
      %abs3A_423 = math.absf %sub3A_422 : vector<16xf32>
      %add3A_424 = arith.addf %abs3A_420, %abs3A_423 : vector<16xf32>
      %reduce_sum3A_425 = arith.constant true
      %reduce_sum3A_426 = vector.broadcast %reduce_sum3A_425 : i1 to vector<16xi1>
      %reduce_sum3A_427 = tpu.scan <sum>, %add3A_424 masked %reduce_sum3A_426 : vector<16xf32>, vector<16xi1> -> vector<16xf32>
      %reduce_sum3A_428 = vector.extract %reduce_sum3A_427[15] : f32 from vector<16xf32>
      %eq3A_429 = arith.constant 9 : i32
      %eq3A_430 = vector.broadcast %eq3A_429 : i32 to vector<16xi32>
      %eq3A_431 = arith.cmpi eq, %iota3A, %eq3A_430 : vector<16xi32>
      %broadcast_in_dim3A_432 = vector.broadcast %reduce_sum3A_428 : f32 to vector<16xf32>
      %select_n3A_433 = arith.select %eq3A_431, %broadcast_in_dim3A_432, %select_n3A_391 : vector<16xi1>, vector<16xf32>
      %mul3A_434 = arith.constant 16 : i32
      %mul3A_435 = arith.muli %scan3A_18, %mul3A_434 : i32
      %add3A_436 = arith.constant 10 : i32
      %add3A_437 = arith.addi %mul3A_435, %add3A_436 : i32
      %get3A_438 = arith.index_cast %add3A_437 : i32 to index
      %get3A_439 = arith.constant 0 : index
      %get3A_440 = tpu.vector_load %arg10[%get3A_438, %get3A_439] {strides = array<i32>} : memref<1024x32xf32, #tpu.memory_space<vmem>>, vector<16xf32>,
      %get3A_441 = arith.index_cast %add3A_437 : i32 to index
      %get3A_442 = arith.constant 16 : index
      %get3A_443 = tpu.vector_load %arg10[%get3A_441, %get3A_442] {strides = array<i32>} : memref<1024x32xf32, #tpu.memory_space<vmem>>, vector<16xf32>,
      %add3A_444 = arith.constant 512 : i32
      %add3A_445 = arith.addi %add3A_444, %add3A_437 : i32
      %get3A_446 = arith.index_cast %add3A_445 : i32 to index
      %get3A_447 = arith.constant 0 : index
      %get3A_448 = tpu.vector_load %arg10[%get3A_446, %get3A_447] {strides = array<i32>} : memref<1024x32xf32, #tpu.memory_space<vmem>>, vector<16xf32>,
      %add3A_449 = arith.constant 512 : i32
      %add3A_450 = arith.addi %add3A_449, %add3A_437 : i32
      %get3A_451 = arith.index_cast %add3A_450 : i32 to index
      %get3A_452 = arith.constant 16 : index
      %get3A_453 = tpu.vector_load %arg10[%get3A_451, %get3A_452] {strides = array<i32>} : memref<1024x32xf32, #tpu.memory_space<vmem>>, vector<16xf32>,
      %get3A_454 = arith.index_cast %add3A_437 : i32 to index
      %get3A_455 = arith.constant 0 : index
      %get3A_456 = tpu.vector_load %arg11[%get3A_454, %get3A_455] {strides = array<i32>} : memref<512x32xf32, #tpu.memory_space<vmem>>, vector<16xf32>,
      %get3A_457 = arith.index_cast %add3A_437 : i32 to index
      %get3A_458 = arith.constant 16 : index
      %get3A_459 = tpu.vector_load %arg11[%get3A_457, %get3A_458] {strides = array<i32>} : memref<512x32xf32, #tpu.memory_space<vmem>>, vector<16xf32>,
      %add3A_460 = arith.addf %get3A_440, %get3A_456 : vector<16xf32>
      %sub3A_461 = arith.subf %add3A_460, %get3A_448 : vector<16xf32>
      %abs3A_462 = math.absf %sub3A_461 : vector<16xf32>
      %add3A_463 = arith.addf %get3A_443, %get3A_459 : vector<16xf32>
      %sub3A_464 = arith.subf %add3A_463, %get3A_453 : vector<16xf32>
      %abs3A_465 = math.absf %sub3A_464 : vector<16xf32>
      %add3A_466 = arith.addf %abs3A_462, %abs3A_465 : vector<16xf32>
      %reduce_sum3A_467 = arith.constant true
      %reduce_sum3A_468 = vector.broadcast %reduce_sum3A_467 : i1 to vector<16xi1>
      %reduce_sum3A_469 = tpu.scan <sum>, %add3A_466 masked %reduce_sum3A_468 : vector<16xf32>, vector<16xi1> -> vector<16xf32>
      %reduce_sum3A_470 = vector.extract %reduce_sum3A_469[15] : f32 from vector<16xf32>
      %eq3A_471 = arith.constant 10 : i32
      %eq3A_472 = vector.broadcast %eq3A_471 : i32 to vector<16xi32>
      %eq3A_473 = arith.cmpi eq, %iota3A, %eq3A_472 : vector<16xi32>
      %broadcast_in_dim3A_474 = vector.broadcast %reduce_sum3A_470 : f32 to vector<16xf32>
      %select_n3A_475 = arith.select %eq3A_473, %broadcast_in_dim3A_474, %select_n3A_433 : vector<16xi1>, vector<16xf32>
      %mul3A_476 = arith.constant 16 : i32
      %mul3A_477 = arith.muli %scan3A_18, %mul3A_476 : i32
      %add3A_478 = arith.constant 11 : i32
      %add3A_479 = arith.addi %mul3A_477, %add3A_478 : i32
      %get3A_480 = arith.index_cast %add3A_479 : i32 to index
      %get3A_481 = arith.constant 0 : index
      %get3A_482 = tpu.vector_load %arg10[%get3A_480, %get3A_481] {strides = array<i32>} : memref<1024x32xf32, #tpu.memory_space<vmem>>, vector<16xf32>,
      %get3A_483 = arith.index_cast %add3A_479 : i32 to index
      %get3A_484 = arith.constant 16 : index
      %get3A_485 = tpu.vector_load %arg10[%get3A_483, %get3A_484] {strides = array<i32>} : memref<1024x32xf32, #tpu.memory_space<vmem>>, vector<16xf32>,
      %add3A_486 = arith.constant 512 : i32
      %add3A_487 = arith.addi %add3A_486, %add3A_479 : i32
      %get3A_488 = arith.index_cast %add3A_487 : i32 to index
      %get3A_489 = arith.constant 0 : index
      %get3A_490 = tpu.vector_load %arg10[%get3A_488, %get3A_489] {strides = array<i32>} : memref<1024x32xf32, #tpu.memory_space<vmem>>, vector<16xf32>,
      %add3A_491 = arith.constant 512 : i32
      %add3A_492 = arith.addi %add3A_491, %add3A_479 : i32
      %get3A_493 = arith.index_cast %add3A_492 : i32 to index
      %get3A_494 = arith.constant 16 : index
      %get3A_495 = tpu.vector_load %arg10[%get3A_493, %get3A_494] {strides = array<i32>} : memref<1024x32xf32, #tpu.memory_space<vmem>>, vector<16xf32>,
      %get3A_496 = arith.index_cast %add3A_479 : i32 to index
      %get3A_497 = arith.constant 0 : index
      %get3A_498 = tpu.vector_load %arg11[%get3A_496, %get3A_497] {strides = array<i32>} : memref<512x32xf32, #tpu.memory_space<vmem>>, vector<16xf32>,
      %get3A_499 = arith.index_cast %add3A_479 : i32 to index
      %get3A_500 = arith.constant 16 : index
      %get3A_501 = tpu.vector_load %arg11[%get3A_499, %get3A_500] {strides = array<i32>} : memref<512x32xf32, #tpu.memory_space<vmem>>, vector<16xf32>,
      %add3A_502 = arith.addf %get3A_482, %get3A_498 : vector<16xf32>
      %sub3A_503 = arith.subf %add3A_502, %get3A_490 : vector<16xf32>
      %abs3A_504 = math.absf %sub3A_503 : vector<16xf32>
      %add3A_505 = arith.addf %get3A_485, %get3A_501 : vector<16xf32>
      %sub3A_506 = arith.subf %add3A_505, %get3A_495 : vector<16xf32>
      %abs3A_507 = math.absf %sub3A_506 : vector<16xf32>
      %add3A_508 = arith.addf %abs3A_504, %abs3A_507 : vector<16xf32>
      %reduce_sum3A_509 = arith.constant true
      %reduce_sum3A_510 = vector.broadcast %reduce_sum3A_509 : i1 to vector<16xi1>
      %reduce_sum3A_511 = tpu.scan <sum>, %add3A_508 masked %reduce_sum3A_510 : vector<16xf32>, vector<16xi1> -> vector<16xf32>
      %reduce_sum3A_512 = vector.extract %reduce_sum3A_511[15] : f32 from vector<16xf32>
      %eq3A_513 = arith.constant 11 : i32
      %eq3A_514 = vector.broadcast %eq3A_513 : i32 to vector<16xi32>
      %eq3A_515 = arith.cmpi eq, %iota3A, %eq3A_514 : vector<16xi32>
      %broadcast_in_dim3A_516 = vector.broadcast %reduce_sum3A_512 : f32 to vector<16xf32>
      %select_n3A_517 = arith.select %eq3A_515, %broadcast_in_dim3A_516, %select_n3A_475 : vector<16xi1>, vector<16xf32>
      %mul3A_518 = arith.constant 16 : i32
      %mul3A_519 = arith.muli %scan3A_18, %mul3A_518 : i32
      %add3A_520 = arith.constant 12 : i32
      %add3A_521 = arith.addi %mul3A_519, %add3A_520 : i32
      %get3A_522 = arith.index_cast %add3A_521 : i32 to index
      %get3A_523 = arith.constant 0 : index
      %get3A_524 = tpu.vector_load %arg10[%get3A_522, %get3A_523] {strides = array<i32>} : memref<1024x32xf32, #tpu.memory_space<vmem>>, vector<16xf32>,
      %get3A_525 = arith.index_cast %add3A_521 : i32 to index
      %get3A_526 = arith.constant 16 : index
      %get3A_527 = tpu.vector_load %arg10[%get3A_525, %get3A_526] {strides = array<i32>} : memref<1024x32xf32, #tpu.memory_space<vmem>>, vector<16xf32>,
      %add3A_528 = arith.constant 512 : i32
      %add3A_529 = arith.addi %add3A_528, %add3A_521 : i32
      %get3A_530 = arith.index_cast %add3A_529 : i32 to index
      %get3A_531 = arith.constant 0 : index
      %get3A_532 = tpu.vector_load %arg10[%get3A_530, %get3A_531] {strides = array<i32>} : memref<1024x32xf32, #tpu.memory_space<vmem>>, vector<16xf32>,
      %add3A_533 = arith.constant 512 : i32
      %add3A_534 = arith.addi %add3A_533, %add3A_521 : i32
      %get3A_535 = arith.index_cast %add3A_534 : i32 to index
      %get3A_536 = arith.constant 16 : index
      %get3A_537 = tpu.vector_load %arg10[%get3A_535, %get3A_536] {strides = array<i32>} : memref<1024x32xf32, #tpu.memory_space<vmem>>, vector<16xf32>,
      %get3A_538 = arith.index_cast %add3A_521 : i32 to index
      %get3A_539 = arith.constant 0 : index
      %get3A_540 = tpu.vector_load %arg11[%get3A_538, %get3A_539] {strides = array<i32>} : memref<512x32xf32, #tpu.memory_space<vmem>>, vector<16xf32>,
      %get3A_541 = arith.index_cast %add3A_521 : i32 to index
      %get3A_542 = arith.constant 16 : index
      %get3A_543 = tpu.vector_load %arg11[%get3A_541, %get3A_542] {strides = array<i32>} : memref<512x32xf32, #tpu.memory_space<vmem>>, vector<16xf32>,
      %add3A_544 = arith.addf %get3A_524, %get3A_540 : vector<16xf32>
      %sub3A_545 = arith.subf %add3A_544, %get3A_532 : vector<16xf32>
      %abs3A_546 = math.absf %sub3A_545 : vector<16xf32>
      %add3A_547 = arith.addf %get3A_527, %get3A_543 : vector<16xf32>
      %sub3A_548 = arith.subf %add3A_547, %get3A_537 : vector<16xf32>
      %abs3A_549 = math.absf %sub3A_548 : vector<16xf32>
      %add3A_550 = arith.addf %abs3A_546, %abs3A_549 : vector<16xf32>
      %reduce_sum3A_551 = arith.constant true
      %reduce_sum3A_552 = vector.broadcast %reduce_sum3A_551 : i1 to vector<16xi1>
      %reduce_sum3A_553 = tpu.scan <sum>, %add3A_550 masked %reduce_sum3A_552 : vector<16xf32>, vector<16xi1> -> vector<16xf32>
      %reduce_sum3A_554 = vector.extract %reduce_sum3A_553[15] : f32 from vector<16xf32>
      %eq3A_555 = arith.constant 12 : i32
      %eq3A_556 = vector.broadcast %eq3A_555 : i32 to vector<16xi32>
      %eq3A_557 = arith.cmpi eq, %iota3A, %eq3A_556 : vector<16xi32>
      %broadcast_in_dim3A_558 = vector.broadcast %reduce_sum3A_554 : f32 to vector<16xf32>
      %select_n3A_559 = arith.select %eq3A_557, %broadcast_in_dim3A_558, %select_n3A_517 : vector<16xi1>, vector<16xf32>
      %mul3A_560 = arith.constant 16 : i32
      %mul3A_561 = arith.muli %scan3A_18, %mul3A_560 : i32
      %add3A_562 = arith.constant 13 : i32
      %add3A_563 = arith.addi %mul3A_561, %add3A_562 : i32
      %get3A_564 = arith.index_cast %add3A_563 : i32 to index
      %get3A_565 = arith.constant 0 : index
      %get3A_566 = tpu.vector_load %arg10[%get3A_564, %get3A_565] {strides = array<i32>} : memref<1024x32xf32, #tpu.memory_space<vmem>>, vector<16xf32>,
      %get3A_567 = arith.index_cast %add3A_563 : i32 to index
      %get3A_568 = arith.constant 16 : index
      %get3A_569 = tpu.vector_load %arg10[%get3A_567, %get3A_568] {strides = array<i32>} : memref<1024x32xf32, #tpu.memory_space<vmem>>, vector<16xf32>,
      %add3A_570 = arith.constant 512 : i32
      %add3A_571 = arith.addi %add3A_570, %add3A_563 : i32
      %get3A_572 = arith.index_cast %add3A_571 : i32 to index
      %get3A_573 = arith.constant 0 : index
      %get3A_574 = tpu.vector_load %arg10[%get3A_572, %get3A_573] {strides = array<i32>} : memref<1024x32xf32, #tpu.memory_space<vmem>>, vector<16xf32>,
      %add3A_575 = arith.constant 512 : i32
      %add3A_576 = arith.addi %add3A_575, %add3A_563 : i32
      %get3A_577 = arith.index_cast %add3A_576 : i32 to index
      %get3A_578 = arith.constant 16 : index
      %get3A_579 = tpu.vector_load %arg10[%get3A_577, %get3A_578] {strides = array<i32>} : memref<1024x32xf32, #tpu.memory_space<vmem>>, vector<16xf32>,
      %get3A_580 = arith.index_cast %add3A_563 : i32 to index
      %get3A_581 = arith.constant 0 : index
      %get3A_582 = tpu.vector_load %arg11[%get3A_580, %get3A_581] {strides = array<i32>} : memref<512x32xf32, #tpu.memory_space<vmem>>, vector<16xf32>,
      %get3A_583 = arith.index_cast %add3A_563 : i32 to index
      %get3A_584 = arith.constant 16 : index
      %get3A_585 = tpu.vector_load %arg11[%get3A_583, %get3A_584] {strides = array<i32>} : memref<512x32xf32, #tpu.memory_space<vmem>>, vector<16xf32>,
      %add3A_586 = arith.addf %get3A_566, %get3A_582 : vector<16xf32>
      %sub3A_587 = arith.subf %add3A_586, %get3A_574 : vector<16xf32>
      %abs3A_588 = math.absf %sub3A_587 : vector<16xf32>
      %add3A_589 = arith.addf %get3A_569, %get3A_585 : vector<16xf32>
      %sub3A_590 = arith.subf %add3A_589, %get3A_579 : vector<16xf32>
      %abs3A_591 = math.absf %sub3A_590 : vector<16xf32>
      %add3A_592 = arith.addf %abs3A_588, %abs3A_591 : vector<16xf32>
      %reduce_sum3A_593 = arith.constant true
      %reduce_sum3A_594 = vector.broadcast %reduce_sum3A_593 : i1 to vector<16xi1>
      %reduce_sum3A_595 = tpu.scan <sum>, %add3A_592 masked %reduce_sum3A_594 : vector<16xf32>, vector<16xi1> -> vector<16xf32>
      %reduce_sum3A_596 = vector.extract %reduce_sum3A_595[15] : f32 from vector<16xf32>
      %eq3A_597 = arith.constant 13 : i32
      %eq3A_598 = vector.broadcast %eq3A_597 : i32 to vector<16xi32>
      %eq3A_599 = arith.cmpi eq, %iota3A, %eq3A_598 : vector<16xi32>
      %broadcast_in_dim3A_600 = vector.broadcast %reduce_sum3A_596 : f32 to vector<16xf32>
      %select_n3A_601 = arith.select %eq3A_599, %broadcast_in_dim3A_600, %select_n3A_559 : vector<16xi1>, vector<16xf32>
      %mul3A_602 = arith.constant 16 : i32
      %mul3A_603 = arith.muli %scan3A_18, %mul3A_602 : i32
      %add3A_604 = arith.constant 14 : i32
      %add3A_605 = arith.addi %mul3A_603, %add3A_604 : i32
      %get3A_606 = arith.index_cast %add3A_605 : i32 to index
      %get3A_607 = arith.constant 0 : index
      %get3A_608 = tpu.vector_load %arg10[%get3A_606, %get3A_607] {strides = array<i32>} : memref<1024x32xf32, #tpu.memory_space<vmem>>, vector<16xf32>,
      %get3A_609 = arith.index_cast %add3A_605 : i32 to index
      %get3A_610 = arith.constant 16 : index
      %get3A_611 = tpu.vector_load %arg10[%get3A_609, %get3A_610] {strides = array<i32>} : memref<1024x32xf32, #tpu.memory_space<vmem>>, vector<16xf32>,
      %add3A_612 = arith.constant 512 : i32
      %add3A_613 = arith.addi %add3A_612, %add3A_605 : i32
      %get3A_614 = arith.index_cast %add3A_613 : i32 to index
      %get3A_615 = arith.constant 0 : index
      %get3A_616 = tpu.vector_load %arg10[%get3A_614, %get3A_615] {strides = array<i32>} : memref<1024x32xf32, #tpu.memory_space<vmem>>, vector<16xf32>,
      %add3A_617 = arith.constant 512 : i32
      %add3A_618 = arith.addi %add3A_617, %add3A_605 : i32
      %get3A_619 = arith.index_cast %add3A_618 : i32 to index
      %get3A_620 = arith.constant 16 : index
      %get3A_621 = tpu.vector_load %arg10[%get3A_619, %get3A_620] {strides = array<i32>} : memref<1024x32xf32, #tpu.memory_space<vmem>>, vector<16xf32>,
      %get3A_622 = arith.index_cast %add3A_605 : i32 to index
      %get3A_623 = arith.constant 0 : index
      %get3A_624 = tpu.vector_load %arg11[%get3A_622, %get3A_623] {strides = array<i32>} : memref<512x32xf32, #tpu.memory_space<vmem>>, vector<16xf32>,
      %get3A_625 = arith.index_cast %add3A_605 : i32 to index
      %get3A_626 = arith.constant 16 : index
      %get3A_627 = tpu.vector_load %arg11[%get3A_625, %get3A_626] {strides = array<i32>} : memref<512x32xf32, #tpu.memory_space<vmem>>, vector<16xf32>,
      %add3A_628 = arith.addf %get3A_608, %get3A_624 : vector<16xf32>
      %sub3A_629 = arith.subf %add3A_628, %get3A_616 : vector<16xf32>
      %abs3A_630 = math.absf %sub3A_629 : vector<16xf32>
      %add3A_631 = arith.addf %get3A_611, %get3A_627 : vector<16xf32>
      %sub3A_632 = arith.subf %add3A_631, %get3A_621 : vector<16xf32>
      %abs3A_633 = math.absf %sub3A_632 : vector<16xf32>
      %add3A_634 = arith.addf %abs3A_630, %abs3A_633 : vector<16xf32>
      %reduce_sum3A_635 = arith.constant true
      %reduce_sum3A_636 = vector.broadcast %reduce_sum3A_635 : i1 to vector<16xi1>
      %reduce_sum3A_637 = tpu.scan <sum>, %add3A_634 masked %reduce_sum3A_636 : vector<16xf32>, vector<16xi1> -> vector<16xf32>
      %reduce_sum3A_638 = vector.extract %reduce_sum3A_637[15] : f32 from vector<16xf32>
      %eq3A_639 = arith.constant 14 : i32
      %eq3A_640 = vector.broadcast %eq3A_639 : i32 to vector<16xi32>
      %eq3A_641 = arith.cmpi eq, %iota3A, %eq3A_640 : vector<16xi32>
      %broadcast_in_dim3A_642 = vector.broadcast %reduce_sum3A_638 : f32 to vector<16xf32>
      %select_n3A_643 = arith.select %eq3A_641, %broadcast_in_dim3A_642, %select_n3A_601 : vector<16xi1>, vector<16xf32>
      %mul3A_644 = arith.constant 16 : i32
      %mul3A_645 = arith.muli %scan3A_18, %mul3A_644 : i32
      %add3A_646 = arith.constant 15 : i32
      %add3A_647 = arith.addi %mul3A_645, %add3A_646 : i32
      %get3A_648 = arith.index_cast %add3A_647 : i32 to index
      %get3A_649 = arith.constant 0 : index
      %get3A_650 = tpu.vector_load %arg10[%get3A_648, %get3A_649] {strides = array<i32>} : memref<1024x32xf32, #tpu.memory_space<vmem>>, vector<16xf32>,
      %get3A_651 = arith.index_cast %add3A_647 : i32 to index
      %get3A_652 = arith.constant 16 : index
      %get3A_653 = tpu.vector_load %arg10[%get3A_651, %get3A_652] {strides = array<i32>} : memref<1024x32xf32, #tpu.memory_space<vmem>>, vector<16xf32>,
      %add3A_654 = arith.constant 512 : i32
      %add3A_655 = arith.addi %add3A_654, %add3A_647 : i32
      %get3A_656 = arith.index_cast %add3A_655 : i32 to index
      %get3A_657 = arith.constant 0 : index
      %get3A_658 = tpu.vector_load %arg10[%get3A_656, %get3A_657] {strides = array<i32>} : memref<1024x32xf32, #tpu.memory_space<vmem>>, vector<16xf32>,
      %add3A_659 = arith.constant 512 : i32
      %add3A_660 = arith.addi %add3A_659, %add3A_647 : i32
      %get3A_661 = arith.index_cast %add3A_660 : i32 to index
      %get3A_662 = arith.constant 16 : index
      %get3A_663 = tpu.vector_load %arg10[%get3A_661, %get3A_662] {strides = array<i32>} : memref<1024x32xf32, #tpu.memory_space<vmem>>, vector<16xf32>,
      %get3A_664 = arith.index_cast %add3A_647 : i32 to index
      %get3A_665 = arith.constant 0 : index
      %get3A_666 = tpu.vector_load %arg11[%get3A_664, %get3A_665] {strides = array<i32>} : memref<512x32xf32, #tpu.memory_space<vmem>>, vector<16xf32>,
      %get3A_667 = arith.index_cast %add3A_647 : i32 to index
      %get3A_668 = arith.constant 16 : index
      %get3A_669 = tpu.vector_load %arg11[%get3A_667, %get3A_668] {strides = array<i32>} : memref<512x32xf32, #tpu.memory_space<vmem>>, vector<16xf32>,
      %add3A_670 = arith.addf %get3A_650, %get3A_666 : vector<16xf32>
      %sub3A_671 = arith.subf %add3A_670, %get3A_658 : vector<16xf32>
      %abs3A_672 = math.absf %sub3A_671 : vector<16xf32>
      %add3A_673 = arith.addf %get3A_653, %get3A_669 : vector<16xf32>
      %sub3A_674 = arith.subf %add3A_673, %get3A_663 : vector<16xf32>
      %abs3A_675 = math.absf %sub3A_674 : vector<16xf32>
      %add3A_676 = arith.addf %abs3A_672, %abs3A_675 : vector<16xf32>
      %reduce_sum3A_677 = arith.constant true
      %reduce_sum3A_678 = vector.broadcast %reduce_sum3A_677 : i1 to vector<16xi1>
      %reduce_sum3A_679 = tpu.scan <sum>, %add3A_676 masked %reduce_sum3A_678 : vector<16xf32>, vector<16xi1> -> vector<16xf32>
      %reduce_sum3A_680 = vector.extract %reduce_sum3A_679[15] : f32 from vector<16xf32>
      %eq3A_681 = arith.constant 15 : i32
      %eq3A_682 = vector.broadcast %eq3A_681 : i32 to vector<16xi32>
      %eq3A_683 = arith.cmpi eq, %iota3A, %eq3A_682 : vector<16xi32>
      %broadcast_in_dim3A_684 = vector.broadcast %reduce_sum3A_680 : f32 to vector<16xf32>
      %select_n3A_685 = arith.select %eq3A_683, %broadcast_in_dim3A_684, %select_n3A_643 : vector<16xi1>, vector<16xf32>
      %mul3A_686 = arith.constant 16 : i32
      %mul3A_687 = arith.muli %scan3A_18, %mul3A_686 : i32
      %multiple_of3A = tpu.assume_multiple %mul3A_687, 16 : i32
      %swap3A = arith.index_cast %multiple_of3A : i32 to index
      %swap3A_688 = tpu.vector_load %arg12[%swap3A] {strides = array<i32>} : memref<512xf32, #tpu.memory_space<vmem>>, vector<16xf32>,
      tpu.vector_store %arg12[%swap3A], %select_n3A_685 {strides = array<i32>} : memref<512xf32, #tpu.memory_space<vmem>>, vector<16xf32>,
    }
    %scan3A_17 = arith.constant 32 : i32
    "tpu.region"() ({
      %run_scoped3A = tpu.sem_alloc : memref<!tpu.dma_semaphore, #tpu.memory_space<semaphore_mem>>
      %dma_start3A_18 = tpu.memref_slice %arg7[%mul3A_2] : memref<16384xf32, #tpu.memory_space<hbm>> -> memref<512xf32, #tpu.memory_space<hbm>>
      %dma_start3A_19 = tpu.memref_slice %arg7[%mul3A_2] : memref<16384xf32, #tpu.memory_space<hbm>> -> memref<512xf32, #tpu.memory_space<hbm>>
      tpu.enqueue_dma source(%arg12 : memref<512xf32, #tpu.memory_space<vmem>>) target(%dma_start3A_19 : memref<512xf32, #tpu.memory_space<hbm>>) target_semaphore(%run_scoped3A : memref<!tpu.dma_semaphore, #tpu.memory_space<semaphore_mem>>)
      %dma_wait3A_20 = tpu.memref_slice %arg7[%mul3A_2] : memref<16384xf32, #tpu.memory_space<hbm>> -> memref<512xf32, #tpu.memory_space<hbm>>
      %dma_wait3A_21 = tpu.memref_slice %arg7[%mul3A_2] : memref<16384xf32, #tpu.memory_space<hbm>> -> memref<512xf32, #tpu.memory_space<hbm>>
      tpu.wait_dma2 semaphore(%run_scoped3A : memref<!tpu.dma_semaphore, #tpu.memory_space<semaphore_mem>>) src(%arg12 : memref<512xf32, #tpu.memory_space<vmem>>) dst(%dma_wait3A_21 : memref<512xf32, #tpu.memory_space<hbm>>)
      tpu.yield
    }) : () -> ()
    return
  }
}

</mosaic_0001>

<sc_bundles>
// kernel: kernel.3.cloned.1.call-start
scs
__scs_entry_jumppad:
0x0: {  	(pc) =	sbr.rel $0x88, $3  }
0x1: {  	(tag) =	ssettag $0x0;
	lr =	simm.s32 $0x1  }
0x2: {  	[smem:$0x3F9C] =	sst lr;
	_ =	strace $0xD0000000  }
0x3: {  	_ = 	snop  }
0x4: {  	_ = 	snop  }
0x5: {  	_ = 	snop  }
0x6: {  	_ = 	snop  }
0x7: {  	_ = 	snop  }
__scs_overlays_trampoline_lowered:
0x8: {  	[smem:$0x3FAB] =	sst s0  }
0x9: {  	[smem:$0x3FAC] =	sst s1  }
0xa: {  	[smem:$0x3FAD] =	sst s2  }
0xb: {  	[smem:$0x3FAE] =	sst s3  }
0xc: {  	[smem:$0x3FAF] =	sst s4  }
0xd: {  	[smem:$0x3FB0] =	sst s5  }
0xe: {  	[smem:$0x3FB1] =	sst s6  }
0xf: {  	[smem:$0x3FB2] =	sst s7  }
0x10: {  	[smem:$0x3FB3] =	sst s8  }
0x11: {  	[smem:$0x3FB4] =	sst s9;
	s0 =	simm.s32 @!p0 $0x0  }
0x12: {  	s1 =	sld [smem:$0x3F9A];
	s0 =	simm.s32 @p0 $0x1  }
0x13: {  	[smem:$0x3FB5] =	sst s0;
	s0 =	simm.s32 @!p1 $0x0  }
0x14: {  	s2 =	sld [smem:$0x3F99];
	s0 =	simm.s32 @p1 $0x1  }
0x15: {  	[smem:$0x3FB6] =	sst s0;
	s0 =	simm.s32 @!p2 $0x0  }
0x16: {  	s3 =	sld [smem:$0x3FDB];
	s0 =	simm.s32 @p2 $0x1  }
0x17: {  	s4 =	simm.s32 $0x1BF5;
	[smem:$0x3FB8] =	sst s0  }
0x18: {  	s0 =	sld [smem:$0x3F9B];
	_ =	swait.ge [sflag:s4], $0x0  }
0x19: {  	s7 =	sld [smem:$0x3F9C]  }
0x1a: {  	s8 =	sadd.s32 $0xFFFFE003, lr  }
0x1b: {  	s9 =	sadd.s32 $0xFFFFFEF7, lr;
	s5 =	simm.s32 $0xFFFFFFFF;
	p2 =	slt.u32 s8, $0xFFFFF086  }
0x1c: {  	p1 =	slt.u32 s9, $0xF7A;
	s5 =	simm.s32 @!p2 $0x0  }
0x1d: {  	s5 =	simm.s32 @p1 $0x1;
	p0 =	seq.s32 s7, s2  }
0x1e: {  	s7 =	smul.u32 @!p0 $0xF7A, s2;
	p2 =	seq.s32 @!p0 s5, $0x0  }
0x1f: {  	s9 =	smul.u32 $0xF7A, s1;
	s8 =	simm.s32 @!p0 $0x1BF5;
	p2 =	por !p2, p0  }
0x20: {  	[sflag:s8] =	ssyncset.s32 @!p0 $0xFFFFF086;
	s6 =	sadd.s32 @!p0 s3, s7;
	s7 =	simm.s32 @!p0 $0x108  }
0x21: {  	s3 =	sadd.s32 s3, s9;
	s6 =	sadd.s32 @!p0 $0x88, s6;
	s7 =	simm.s32 @p2 $0x1082  }
0x22: {  	[simem:s7], [sflag:s8] =	dma.local @!p0 [hbm:s6], $0xF7A  }
0x23: {  	s9 =	sor.u32 $0xD0000000, s2;
	s6 =	simm.s32 $0x108;
	_ =	swait.ge @!p0 [sflag:s8], $0x0  }
0x24: {  	s3 =	sadd.s32 $0x88, s3;
	s6 =	simm.s32 @!p1 $0x1082;
	[sflag:s4] =	ssyncset.s32 $0xFFFFF086  }
0x25: {  	[simem:s6], [sflag:s4] =	dma.local [hbm:s3], $0xF7A  }
0x26: {  	[smem:$0x3F9C] =	sst s1;
	(tag) =	ssettag s2;
	_ =	strace s9  }
0x27: {  	s1 =	sld [smem:$0x3FAC]  }
0x28: {  	s2 =	sld [smem:$0x3FAD]  }
0x29: {  	s4 =	sld [smem:$0x3FAF]  }
0x2a: {  	p0 =	seq.s32 s5, $0x0;
	s5 =	sld [smem:$0x3FB0]  }
0x2b: {  	s6 =	sld [smem:$0x3FB1]  }
0x2c: {  	s7 =	sld [smem:$0x3FB2]  }
0x2d: {  	s3 =	simm.s32 $0x108;
	s8 =	sld [smem:$0x3FB3]  }
0x2e: {  	s3 =	simm.s32 @!p0 $0x1082;
	s9 =	sld [smem:$0x3FB4]  }
0x2f: {  	lr =	sadd.s32 s0, s3;
	s0 =	sld [smem:$0x3FAB]  }
0x30: {  	s3 =	sld [smem:$0x3FAE]  }
0x31: {  	[smem:$0x3FB7] =	sst s10  }
0x32: {  	s10 =	sld [smem:$0x3FB5];
	_ =	sdelay $0x3  }
0x33: {  	p0 =	seq.s32 s10, $0x1;
	s10 =	sld [smem:$0x3FB7];
	_ =	sdelay $0x3  }
0x34: {  	[smem:$0x3FB7] =	sst s10  }
0x35: {  	s10 =	sld [smem:$0x3FB6];
	_ =	sdelay $0x3  }
0x36: {  	p1 =	seq.s32 s10, $0x1;
	s10 =	sld [smem:$0x3FB7];
	_ =	sdelay $0x3  }
0x37: {  	[smem:$0x3FB7] =	sst s10  }
0x38: {  	s10 =	sld [smem:$0x3FB8]  }
0x39: {  	_ = 	snop;
	(pc) =	sbr.ind lr, $3  }
0x3a: {  	_ = 	snop  }
0x3b: {  	_ = 	snop  }
0x3c: {  	p2 =	seq.s32 s10, $0x1;
	s10 =	sld [smem:$0x3FB7]  }
0x3d: {  	_ =	shalt  }
0x3e: {  	_ =	shalt  }
0x3f: {  	_ =	shalt  }
0x40: {  	_ =	shalt  }
0x41: {  	_ =	shalt  }
0x42: {  	_ =	shalt  }
0x43: {  	_ =	shalt  }
0x44: {  	_ =	shalt  }
0x45: {  	_ =	shalt  }
0x46: {  	_ =	shalt  }
0x47: {  	_ =	shalt  }
0x48: {  	_ =	shalt  }
0x49: {  	_ =	shalt  }
0x4a: {  	_ =	shalt  }
0x4b: {  	_ =	shalt  }
0x4c: {  	_ =	shalt  }
0x4d: {  	_ =	shalt  }
0x4e: {  	_ =	shalt  }
0x4f: {  	_ =	shalt  }
0x50: {  	_ =	shalt  }
0x51: {  	_ =	shalt  }
0x52: {  	_ =	shalt  }
0x53: {  	_ =	shalt  }
0x54: {  	_ =	shalt  }
0x55: {  	_ =	shalt  }
0x56: {  	_ =	shalt  }
0x57: {  	_ =	shalt  }
0x58: {  	_ =	shalt  }
0x59: {  	_ =	shalt  }
0x5a: {  	_ =	shalt  }
0x5b: {  	_ =	shalt  }
0x5c: {  	_ =	shalt  }
0x5d: {  	_ =	shalt  }
0x5e: {  	_ =	shalt  }
0x5f: {  	_ =	shalt  }
0x60: {  	_ =	shalt  }
0x61: {  	_ =	shalt  }
0x62: {  	_ =	shalt  }
0x63: {  	_ =	shalt  }
0x64: {  	_ =	shalt  }
0x65: {  	_ =	shalt  }
0x66: {  	_ =	shalt  }
0x67: {  	_ =	shalt  }
0x68: {  	_ =	shalt  }
0x69: {  	_ =	shalt  }
0x6a: {  	_ =	shalt  }
0x6b: {  	_ =	shalt  }
0x6c: {  	_ =	shalt  }
0x6d: {  	_ =	shalt  }
0x6e: {  	_ =	shalt  }
0x6f: {  	_ =	shalt  }
0x70: {  	_ =	shalt  }
0x71: {  	_ =	shalt  }
0x72: {  	_ =	shalt  }
0x73: {  	_ =	shalt  }
0x74: {  	_ =	shalt  }
0x75: {  	_ =	shalt  }
0x76: {  	_ =	shalt  }
0x77: {  	_ =	shalt  }
0x78: {  	_ =	shalt  }
0x79: {  	_ =	shalt  }
0x7a: {  	_ =	shalt  }
0x7b: {  	_ =	shalt  }
0x7c: {  	_ =	shalt  }
0x7d: {  	_ =	shalt  }
0x7e: {  	_ =	shalt  }
0x7f: {  	_ =	shalt  }
0x80: {  	_ =	shalt  }
0x81: {  	_ =	shalt  }
0x82: {  	_ =	shalt  }
0x83: {  	_ =	shalt  }
0x84: {  	_ =	shalt  }
0x85: {  	_ =	shalt  }
0x86: {  	_ =	shalt  }
0x87: {  	_ =	shalt  }
.Lfunc_end0:
.L_simem_size_0:
called_computation_lowered:
.L_overlay_start_0:
0x88: {  	s2 =	sld [smem:$0x3FD9]  }
0x89: {  	s3 =	sld [smem:$0x3FFE];
	_ =	sdelay $0x1  }
0x8a: {  	s1 =	srdreg.scid  }
0x8b: {  	s0 =	sand.u32 $0x1, s1  }
0x8c: {  	s17 =	sshll.u32 s0, $0xA;
	s2 =	sadd.s32 s3, s2  }
0x8d: {  	s2 =	sadd.s32 s2, s17  }
0x8e: {  	[smem:$0x3FC3] =	sst s2  }
0x8f: {  	_ = 	snop  }
0x90: {  	s2 =	sld [smem:$0x3FC9]  }
0x91: {  	s18 =	sld [smem:$0x3FC8]  }
0x92: {  	s4 =	sld [smem:$0x3FC7]  }
0x93: {  	s5 =	sld [smem:$0x3FD0];
	(tm) =	ssettm $0x1  }
0x94: {  	s6 =	sld [smem:$0x3FFB];
	_ =	sdelay $0x3  }
0x95: {  	_ =	strace s6  }
0x96: {  	s6 =	sld [smem:$0x3FFC];
	_ =	sdelay $0x3  }
0x97: {  	_ =	strace s6  }
0x98: {  	s6 =	sld [smem:$0x3FFD];
	_ =	sdelay $0x3  }
0x99: {  	_ =	strace s6  }
0x9a: {  	_ =	strace $0x8FFFFFFF  }
0x9b: {  	s19 =	sld [smem:$0x3FDB];
	_ =	sdelay $0x1  }
0x9c: {  	s7 =	simm.s32 $_scs_section_size  }
0x9d: {  	s8 =	simm.s32 $_size__tile_overlayer_lowered;
	s9 =	simm.s32 $_tile_overlayer_lowered  }
0x9e: {  	s22 =	simm.s32 $0x1BFF;
	s21 =	sshll.u32 s9, $0x1;
	s6 =	sadd.s32 s7, s19  }
0x9f: {  	s10 =	simm.s32 $0x0;
	s20 =	sshll.u32 s8, $0x1;
	s8 =	sadd.s32 s21, s6  }
0xa0: {  	[timem:s10], [sflag:s22] =	dma.local [hbm:s8], s20  }
0xa1: {  	_ =	swait.ge [sflag:s22], s20  }
0xa2: {  	s7 =	ssub.s32 $0x0, s20;
	[sflag:s22] =	ssyncset.done $0x0  }
0xa3: {  	[sflag:s22] =	ssyncadd.s32 s7;
	_ =	sdelay $0x1  }
0xa4: {  	s23 =	simm.s32 $0x1B8B  }
0xa5: {  	_ =	swait.ge [sflag:s23], $0x1  }
0xa6: {  	[sflag:s23] =	ssyncset.done $0x0  }
0xa7: {  	s25 =	simm.s32 $0x1B8E;
	s24 =	sld [smem:$0x3FFE];
	[sflag:s23] =	ssyncadd.s32 $0xFFFFFFFF  }
0xa8: {  	s26 =	simm.s32 $execute0_lowered;
	[smem:$0x3FD2] =	sst s25  }
0xa9: {  	s8 =	sshll.u32 s26, $0x1;
	_ =	strace $0x80000046;
	[dreg:$0x1] =	wrdreg $0xFFFFFFFF  }
0xaa: {  	s28 =	simm.s32 $_size_execute0_lowered;
	s6 =	sadd.s32 s6, s8;
	[dreg:$0x0] =	wrdreg $0x0  }
0xab: {  	s8 =	sshll.u32 s28, $0x1;
	[dreg:$0x2] =	wrdreg s6  }
0xac: {  	[dreg:$0x3] =	wrdreg s8  }
0xad: {  	[dreg:$0x4] =	wrdreg $0xC0  }
0xae: {  	_ =	task [dreg:s10], $0x5FFFF  }
0xaf: {  	[dreg:$0x1] =	wrdreg $0xFFFFFFFF  }
0xb0: {  	[dreg:$0x0] =	wrdreg $0x60  }
0xb1: {  	[dreg:$0x2] =	wrdreg s2  }
0xb2: {  	[dreg:$0x3] =	wrdreg s18  }
0xb3: {  	[dreg:$0x4] =	wrdreg s4  }
0xb4: {  	[dreg:$0x5] =	wrdreg s24  }
0xb5: {  	[dreg:$0x6] =	wrdreg s5  }
0xb6: {  	[dreg:$0x7] =	wrdreg $0x9  }
0xb7: {  	_ =	task.clear_ibuf [dreg:s10], $0x8FFFF;
	_ =	strace $0x90000046  }
0xb8: {  	s29 =	simm.s32 $0x9;
	_ =	strace $0x80000048  }
0xb9: {  	_ =	swait.ge [sflag:s29], $0x1  }
0xba: {  	[sflag:s29] =	ssyncadd.s32 $0xFFFFFFFF  }
0xbb: {  	_ =	strace $0x90000048  }
0xbc: {  	_ =	sfence  }
0xbd: {  	s30 =	sld [smem:$0x0];
	_ =	sdelay $0x2  }
0xbe: {  	s31 =	sshll.u32 s1, $0xD;
	s1 =	sshrl.u32 s1, $0x2  }
0xbf: {  	s3 =	sand.u32 $0x4000, s31;
	s1 =	sadd.s32 s1, s30  }
0xc0: {  	s0 =	sor.u32 s3, s0;
	s1 =	sshll.u32 s1, $0x11  }
0xc1: {  	s0 =	sor.u32 s1, s0  }
0xc2: {  	s0 =	sadd.s32 $0x8F2B, s0  }
0xc3: {  	[sflag:s0] =	ssyncadd.remote.s32 $0x1  }
0xc4: {  	_ =	sfence.sel $0xFFFF  }
0xc5: {  	[dreg:$0x0] =	wrdreg $0xFFFFFFFF;
	(pc) =	sbr.abs _section_cstart, $3  }
0xc6: {  	[dreg:$0x1] =	wrdreg $0xFFFFFFFF  }
0xc7: {  	_ =	task.clear_ibuf [dreg:s10], $0x2FFFF;
	_ =	strace $0x9FFFFFFF  }
0xc8: {  	(tm) =	ssettm $0x7FFFFFFF  }
0xc9: {  	_ =	shalt  }
tec
execute0_lowered:
.L_overlay_start_1:
0x0: {  	(tag) =	ssettag $0x1  }
0x1: {  	s5 =	rddreg [dreg:$0x0]  }
0x2: {  	s7 =	rddreg [dreg:$0x1]  }
0x3: {  	s6 =	rddreg [dreg:$0x2]  }
0x4: {  	s4 =	rddreg [dreg:$0x3]  }
0x5: {  	s8 =	rddreg [dreg:$0x4]  }
0x6: {  	s0 =	rddreg [dreg:$0x5]  }
0x7: {  	s2 =	simm.s32 $0x0;
	s3 =	srdreg.scid;
	s1 =	stileid.u32  }
0x8: {  	s13 =	simm.s32 $0x600;
	s14 =	simm.s32 $0x8600;
	s15 =	simm.s32 $0x1  }
0x9: {  	s16 =	simm.s32 $0xC600;
	s17 =	simm.s32 $0x0;
	[smem:$0x7FF] =	sst s2  }
0xa: {  	s3 =	sand.u32 $0x1, s3;
	s10 =	sshll.u32 s1, $0x7;
	_ =	strace $0x80000047  }
0xb: {  	vm0 =	vmmov $0x1;
	vm1 =	vmmov $0x3;
	vm2 =	vmmov $0x7;
	s9 =	ssub.s32 $0x2, s3;
	s11 =	sshll.u32 s3, $0x6;
	s3 =	sadd.s32 $0xF42A00, s4  }
0xc: {  	vm3 =	vmmov $0xf;
	vm4 =	vmmov $0x1f;
	vm5 =	vmmov $0x3f;
	s4 =	sadd.s32 $0x600, s4;
	s12 =	sshrl.u32 s9, $0x1;
	s10 =	sor.u32 s11, s10  }
0xd: {  	vm6 =	vmmov $0x7f;
	vm7 =	vmmov $0xff;
	vm8 =	vmmov $0x1ff;
	s11 =	simm.s32 $0x200;
	s9 =	ssub.s32 s9, s12;
	s5 =	sadd.s32 s5, s10  }
0xe: {  	vm9 =	vmmov $0x3ff;
	vm10 =	vmmov $0x7ff;
	vm11 =	vmmov $0xfff;
	s6 =	sadd.s32 s6, s10;
	s7 =	sadd.s32 s7, s10;
	s8 =	sadd.s32 s8, s10  }
0xf: {  	vm12 =	vmmov $0x1fff;
	vm13 =	vmmov $0x3fff;
	vm14 =	vmmov $0x7fff;
	s10 =	simm.s32 $0x2;
	s12 =	simm.s32 $0x400;
	s9 =	smax.u32 s9, $0x1  }
.LBB2_1:
0x10: {  	[tilespmem:s2], [sflag:$0x2] =	stream.linear.gather [hbm4b:s5+s2], $0x200, $0x38;
	[tilespmem:$0xC800] =	vst v63  }
0x11: {  	_ =	swait.ge [sflag:s10], $0x200  }
0x12: {  	[sflag:s10] =	ssyncset.done $0x0  }
0x13: {  	[sflag:s10] =	ssyncadd.s32 $0xFFFFFE00  }
0x14: {  	[tilespmem:s11], [sflag:$0x2] =	stream.linear.gather [hbm4b:s6+s2], $0x200, $0x38;
	[tilespmem:$0xC800] =	vst v63  }
0x15: {  	_ =	swait.ge [sflag:s10], $0x200  }
0x16: {  	[sflag:s10] =	ssyncset.done $0x0  }
0x17: {  	[sflag:s10] =	ssyncadd.s32 $0xFFFFFE00  }
0x18: {  	[tilespmem:s12], [sflag:$0x2] =	stream.linear.gather [hbm4b:s7+s2], $0x200, $0x38;
	[tilespmem:$0xC800] =	vst v63  }
0x19: {  	_ =	swait.ge [sflag:s10], $0x200  }
0x1a: {  	[sflag:s10] =	ssyncset.done $0x0  }
0x1b: {  	[sflag:s10] =	ssyncadd.s32 $0xFFFFFE00  }
0x1c: {  	[tilespmem:s13], [sflag:$0x1] =	stream.indirect.gather [hbm4b:s3+s12], $0x20, s2, s12, $0xb8;
	[tilespmem:$0xC800] =	vst v63  }
0x1d: {  	_ = 	snop  }
0x1e: {  	[tilespmem:s14], [sflag:$0x1] =	stream.indirect.gather [hbm4b:s4+s11], $0x20, s12, s11, $0xb8;
	[tilespmem:$0xC800] =	vst v63  }
0x1f: {  	_ =	swait.ge [sflag:s15], $0x8000  }
0x20: {  	[sflag:s15] =	ssyncset.done $0x0  }
0x21: {  	[sflag:s15] =	ssyncadd.s32 $0xFFFF8000  }
0x22: {  	_ =	swait.ge [sflag:s15], $0x4000  }
0x23: {  	[sflag:s15] =	ssyncset.done $0x0  }
0x24: {  	s18 =	simm.s32 $0x0;
	[sflag:s15] =	ssyncadd.s32 $0xFFFFC000  }
0x25: {  	v0 =	vld [tilespmem:s18+$0x7E0]  }
0x26: {  	v10 =	vld [tilespmem:s18+$0x47C0]  }
0x27: {  	v11 =	vld [tilespmem:s18+$0x47D0]  }
0x28: {  	v12 =	vld [tilespmem:s18+$0x7C0]  }
0x29: {  	v13 =	vld [tilespmem:s18+$0x87C0]  }
0x2a: {  	v14 =	vld [tilespmem:s18+$0x7D0]  }
0x2b: {  	v15 =	vld [tilespmem:s18+$0x87D0]  }
0x2c: {  	v16 =	vld [tilespmem:s18+$0x4780]  }
0x2d: {  	v17 =	vld [tilespmem:s18+$0x4790]  }
0x2e: {  	v3 =	vld [tilespmem:s18+$0x7A0]  }
0x2f: {  	v4 =	vld [tilespmem:s18+$0x87A0]  }
0x30: {  	v2 =	vld [tilespmem:s18+$0x7B0]  }
0x31: {  	v18 =	vld [tilespmem:s18+$0x4760]  }
0x32: {  	v19 =	vld [tilespmem:s18+$0x4770]  }
0x33: {  	v20 =	vld [tilespmem:s18+$0x780]  }
0x34: {  	v21 =	vld [tilespmem:s18+$0x8780]  }
0x35: {  	v22 =	vld [tilespmem:s18+$0x790]  }
0x36: {  	v23 =	vld [tilespmem:s18+$0x8790]  }
0x37: {  	v24 =	vld [tilespmem:s18+$0x760]  }
0x38: {  	v25 =	vld [tilespmem:s18+$0x8760]  }
0x39: {  	v26 =	vld [tilespmem:s18+$0x770]  }
0x3a: {  	v27 =	vld [tilespmem:s18+$0x8770]  }
0x3b: {  	v28 =	vld [tilespmem:s18+$0x4720]  }
0x3c: {  	v29 =	vld [tilespmem:s18+$0x4730]  }
0x3d: {  	v6 =	vld [tilespmem:s18+$0x740]  }
0x3e: {  	v7 =	vld [tilespmem:s18+$0x8740]  }
0x3f: {  	v5 =	vld [tilespmem:s18+$0x750]  }
0x40: {  	v30 =	vld [tilespmem:s18+$0x4700]  }
0x41: {  	v31 =	vld [tilespmem:s18+$0x4710]  }
0x42: {  	v32 =	vld [tilespmem:s18+$0x720]  }
0x43: {  	v33 =	vld [tilespmem:s18+$0x8720]  }
0x44: {  	v34 =	vld [tilespmem:s18+$0x730]  }
0x45: {  	v35 =	vld [tilespmem:s18+$0x8730]  }
0x46: {  	v36 =	vld [tilespmem:s18+$0x700]  }
0x47: {  	v37 =	vld [tilespmem:s18+$0x8700]  }
0x48: {  	v38 =	vld [tilespmem:s18+$0x710]  }
0x49: {  	v39 =	vld [tilespmem:s18+$0x8710]  }
0x4a: {  	v40 =	vld [tilespmem:s18+$0x46C0]  }
0x4b: {  	v41 =	vld [tilespmem:s18+$0x46D0]  }
0x4c: {  	v9 =	vld [tilespmem:s18+$0x6E0]  }
0x4d: {  	v42 =	vld [tilespmem:s18+$0x86E0]  }
0x4e: {  	v8 =	vld [tilespmem:s18+$0x6F0]  }
0x4f: {  	v43 =	vld [tilespmem:s18+$0x46A0]  }
0x50: {  	v44 =	vld [tilespmem:s18+$0x46B0]  }
0x51: {  	v45 =	vld [tilespmem:s18+$0x6C0]  }
0x52: {  	v46 =	vld [tilespmem:s18+$0x86C0]  }
0x53: {  	v47 =	vld [tilespmem:s18+$0x6D0]  }
0x54: {  	v48 =	vld [tilespmem:s18+$0x86D0]  }
0x55: {  	v49 =	vld [tilespmem:s18+$0x6A0]  }
0x56: {  	v50 =	vld [tilespmem:s18+$0x86A0]  }
0x57: {  	v51 =	vld [tilespmem:s18+$0x6B0]  }
0x58: {  	v52 =	vld [tilespmem:s18+$0x86B0]  }
0x59: {  	v53 =	vld [tilespmem:s18+$0x4660]  }
0x5a: {  	v54 =	vld [tilespmem:s18+$0x4670];
	v12 =	vadd.f32 v13, v12  }
0x5b: {  	v55 =	vld [tilespmem:s18+$0x8620];
	v14 =	vadd.f32 v15, v14  }
0x5c: {  	v56 =	vld [tilespmem:s18+$0x8630];
	v10 =	vsub.f32 v12, v10;
	v12 =	vadd.f32 v21, v20  }
0x5d: {  	v13 =	vld [tilespmem:s18+$0x680];
	v11 =	vsub.f32 v14, v11;
	v14 =	vadd.f32 v23, v22  }
0x5e: {  	v15 =	vld [tilespmem:s18+$0x8680];
	v12 =	vsub.f32 v12, v16;
	v16 =	vadd.f32 v25, v24  }
0x5f: {  	v20 =	vld [tilespmem:s18+$0x690];
	v10 =	vand.u32 $0x7FFFFFFF, v10;
	v14 =	vsub.f32 v14, v17;
	v17 =	vadd.f32 v27, v26  }
0x60: {  	v21 =	vld [tilespmem:s18+$0x4640];
	v11 =	vand.u32 $0x7FFFFFFF, v11;
	v25 =	vadd.f32 v37, v36;
	v27 =	vadd.f32 v39, v38  }
0x61: {  	v22 =	vld [tilespmem:s18+$0x4650];
	v10 =	vadd.f32 v11, v10;
	v11 =	vand.u32 $0x7FFFFFFF, v12;
	v12 =	vsub.f32 v16, v18  }
0x62: {  	v23 =	vld [tilespmem:s18+$0x660];
	v17 =	vsub.f32 v17, v19;
	v18 =	vadd.f32 v33, v32  }
0x63: {  	v24 =	vld [tilespmem:s18+$0x8670];
	v14 =	vand.u32 $0x7FFFFFFF, v14;
	v25 =	vsub.f32 v25, v30;
	v27 =	vsub.f32 v27, v31  }
0x64: {  	v16 =	vld [tilespmem:s18+$0x8660];
	v11 =	vadd.f32 v14, v11;
	v14 =	vadd.f32 v35, v34  }
0x65: {  	v19 =	vld [tilespmem:s18+$0x670];
	v12 =	vand.u32 $0x7FFFFFFF, v12;
	v18 =	vsub.f32 v18, v28;
	v17 =	vand.u32 $0x7FFFFFFF, v17  }
0x66: {  	v30 =	vld [tilespmem:s18+$0x8640];
	v25 =	vand.u32 $0x7FFFFFFF, v25;
	v27 =	vand.u32 $0x7FFFFFFF, v27;
	v14 =	vsub.f32 v14, v29  }
0x67: {  	v31 =	vld [tilespmem:s18+$0x650];
	v12 =	vadd.f32 v17, v12;
	v25 =	vadd.f32 v27, v25  }
0x68: {  	v29 =	vld [tilespmem:s18+$0x640];
	v17 =	vand.u32 $0x7FFFFFFF, v18;
	v18 =	vadd.f32 v46, v45;
	v14 =	vand.u32 $0x7FFFFFFF, v14  }
0x69: {  	v16 =	vadd.f32 v16, v23;
	v23 =	vld [tilespmem:s18+$0x610];
	v14 =	vadd.f32 v14, v17  }
0x6a: {  	v17 =	vadd.f32 v48, v47;
	v48 =	vadd.f32 v50, v49;
	v49 =	vld [tilespmem:s18+$0x8650]  }
0x6b: {  	v19 =	vadd.f32 v24, v19;
	v50 =	vadd.f32 v52, v51;
	v51 =	vld [tilespmem:s18+$0x8600]  }
0x6c: {  	v18 =	vsub.f32 v18, v40;
	v52 =	vld [tilespmem:s18+$0x600];
	v16 =	vsub.f32 v16, v53  }
0x6d: {  	v24 =	vld [tilespmem:s18+$0x8610];
	v19 =	vsub.f32 v19, v54;
	v17 =	vsub.f32 v17, v41  }
0x6e: {  	v26 =	vld [tilespmem:s18+$0x4600];
	v27 =	vsub.f32 v48, v43;
	v29 =	vadd.f32 v30, v29  }
0x6f: {  	(xrf2) =	vadd.scan.msk.f32 $0xffff, v10;
	v28 =	vld [tilespmem:s18+$0x4610];
	v34 =	vsub.f32 v50, v44;
	v18 =	vand.u32 $0x7FFFFFFF, v18;
	v10 =	vand.u32 $0x7FFFFFFF, v16  }
0x70: {  	v30 =	vld [tilespmem:s18+$0x630];
	v17 =	vand.u32 $0x7FFFFFFF, v17;
	v21 =	vsub.f32 v29, v21;
	v31 =	vadd.f32 v49, v31  }
0x71: {  	v16 =	vand.u32 $0x7FFFFFFF, v19;
	v17 =	vadd.f32 v17, v18;
	v18 =	vld [tilespmem:s18+$0x620];
	v32 =	vadd.f32 v51, v52  }
0x72: {  	v27 =	vand.u32 $0x7FFFFFFF, v27;
	v23 =	vadd.f32 v24, v23;
	v24 =	vld [tilespmem:s18+$0x4620];
	v22 =	vsub.f32 v31, v22  }
0x73: {  	(xrf2) =	vadd.scan.msk.f32 $0xffff, v11;
	v34 =	vand.u32 $0x7FFFFFFF, v34;
	v10 =	vadd.f32 v16, v10;
	v19 =	vsub.f32 v32, v26;
	v26 =	vld [tilespmem:s18+$0x4630]  }
0x74: {  	(xrf2) =	vadd.scan.msk.f32 $0xffff, v12;
	v11 =	vsub.f32 v23, v28;
	v21 =	vand.u32 $0x7FFFFFFF, v21;
	v23 =	vld [tilespmem:s18+$0x8690];
	v22 =	vand.u32 $0x7FFFFFFF, v22  }
0x75: {  	(xrf2) =	vadd.scan.msk.f32 $0xffff, v14;
	v27 =	vadd.f32 v34, v27;
	v12 =	vand.u32 $0x7FFFFFFF, v19;
	v19 =	vld [tilespmem:s18+$0x4680];
	v16 =	vadd.f32 v22, v21  }
0x76: {  	(xrf2) =	vadd.scan.msk.f32 $0xffff, v25;
	v11 =	vand.u32 $0x7FFFFFFF, v11;
	v14 =	vadd.f32 v55, v18;
	v18 =	vadd.f32 v56, v30;
	v21 =	vld [tilespmem:s18+$0x4690]  }
0x77: {  	(xrf2) =	vadd.scan.msk.f32 $0xffff, v17;
	v11 =	vadd.f32 v11, v12;
	v12 =	vadd.f32 v15, v13;
	v13 =	vld [tilespmem:s18+$0x86F0]  }
0x78: {  	v17 =	vld [tilespmem:s18+$0x46E0];
	(xrf2) =	vadd.scan.msk.f32 $0xffff, v27;
	v14 =	vsub.f32 v14, v24;
	v15 =	vsub.f32 v18, v26  }
0x79: {  	v9 =	vadd.f32 v42, v9;
	(xrf2) =	vadd.scan.msk.f32 $0xffff, v10;
	v18 =	vadd.f32 v23, v20;
	v20 =	vld [tilespmem:s18+$0x46F0]  }
0x7a: {  	(xrf2) =	vadd.scan.msk.f32 $0xffff, v16;
	v16 =	vld [tilespmem:s18+$0x4740];
	v10 =	vand.u32 $0x7FFFFFFF, v14;
	v14 =	vand.u32 $0x7FFFFFFF, v15;
	v12 =	vsub.f32 v12, v19  }
0x7b: {  	v15 =	vld [tilespmem:s18+$0x8750];
	v10 =	vadd.f32 v14, v10;
	v14 =	vsub.f32 v18, v21  }
0x7c: {  	v6 =	vadd.f32 v7, v6;
	(xrf2) =	vadd.scan.msk.f32 $0xffff, v11;
	v11 =	vld [tilespmem:s18+$0x4750];
	v8 =	vadd.f32 v13, v8  }
0x7d: {  	v9 =	vsub.f32 v9, v17;
	v12 =	vand.u32 $0x7FFFFFFF, v12;
	v13 =	vand.u32 $0x7FFFFFFF, v14;
	v14 =	vld [tilespmem:s18+$0x87B0]  }
0x7e: {  	v8 =	vsub.f32 v8, v20;
	v12 =	vadd.f32 v13, v12;
	v13 =	vld [tilespmem:s18+$0x47A0]  }
0x7f: {  	v7, _, _ =	vpop (xrf2);
	(xrf2) =	vadd.scan.msk.f32 $0xffff, v10;
	v6 =	vsub.f32 v6, v16;
	v16 =	vld [tilespmem:s18+$0x7F0]  }
0x80: {  	v9 =	vand.u32 $0x7FFFFFFF, v9;
	v10, _, _ =	vpop (xrf2);
	v5 =	vadd.f32 v15, v5;
	v15 =	vld [tilespmem:s18+$0x47B0];
	v8 =	vand.u32 $0x7FFFFFFF, v8  }
0x81: {  	v3 =	vadd.f32 v4, v3;
	v17, _, _ =	vpop (xrf2);
	v8 =	vadd.f32 v8, v9;
	v9 =	vld [tilespmem:s18+$0x87F0]  }
0x82: {  	v1 =	vld [tilespmem:s18+$0x87E0];
	(xrf2) =	vadd.scan.msk.f32 $0xffff, v12;
	v4, _, _ =	vpop (xrf2);
	v5 =	vsub.f32 v5, v11  }
0x83: {  	v12, _, _ =	vpop (xrf2);
	v3 =	vsub.f32 v3, v13;
	v13 =	vld [tilespmem:s18+$0x47F0]  }
0x84: {  	v6 =	vand.u32 $0x7FFFFFFF, v6;
	v2 =	vadd.f32 v14, v2;
	v11, _, _ =	vpop (xrf2);
	v5 =	vand.u32 $0x7FFFFFFF, v5  }
0x85: {  	v18, _, _ =	vpop (xrf2);
	v5 =	vadd.f32 v5, v6  }
0x86: {  	(xrf2) =	vadd.scan.msk.f32 $0xffff, v8;
	v2 =	vsub.f32 v2, v15;
	v8, _, _ =	vpop (xrf2);
	v3 =	vand.u32 $0x7FFFFFFF, v3;
	v9 =	vadd.f32 v9, v16  }
0x87: {  	v14 =	vld [tilespmem:s18+$0x47E0];
	v6, _, _ =	vpop (xrf2)  }
0x88: {  	v0 =	vadd.f32 v1, v0;
	v2 =	vand.u32 $0x7FFFFFFF, v2;
	(xrf2) =	vadd.scan.msk.f32 $0xffff, v5;
	v1, _, _ =	vpop (xrf2);
	v5 =	vsub.f32 v9, v13  }
0x89: {  	v2 =	vadd.f32 v2, v3;
	v3, _, _ =	vpop (xrf2)  }
0x8a: {  	v1 =	vbroadcast v1, $0xF;
	v3 =	vbroadcast v3, $0xF;
	_ =	sdelay $0x1  }
0x8b: {  	v0 =	vsub.f32 v0, v14;
	v1 =	vsel vm0, v1, v3;
	v3 =	vand.u32 $0x7FFFFFFF, v5;
	v5, _, _ =	vpop (xrf2)  }
0x8c: {  	v6 =	vbroadcast v6, $0xF;
	(xrf2) =	vadd.scan.msk.f32 $0xffff, v2;
	v5 =	vbroadcast v5, $0xF  }
0x8d: {  	v0 =	vand.u32 $0x7FFFFFFF, v0;
	v2 =	vbroadcast v8, $0xF  }
0x8e: {  	v1 =	vsel vm1, v1, v6;
	v0 =	vadd.f32 v3, v0  }
0x8f: {  	v3 =	vbroadcast v11, $0xF;
	v1 =	vsel vm2, v1, v2;
	v2 =	vbroadcast v18, $0xF  }
0x90: {  	v1 =	vsel vm3, v1, v5;
	v5, _, _ =	vpop (xrf2)  }
0x91: {  	(xrf2) =	vadd.scan.msk.f32 $0xffff, v0;
	v0 =	vsel vm4, v1, v2;
	v1 =	vbroadcast v5, $0xF  }
0x92: {  	v2 =	vbroadcast v12, $0xF;
	v0 =	vsel vm5, v0, v3  }
0x93: {  	v3, _, _ =	vpop (xrf2);
	v0 =	vsel vm6, v0, v1;
	v1 =	vbroadcast v4, $0xF  }
0x94: {  	v0 =	vsel vm7, v0, v2;
	v2 =	vbroadcast v3, $0xF  }
0x95: {  	v0 =	vsel vm8, v0, v1;
	v1 =	vbroadcast v17, $0xF  }
0x96: {  	v3, _, _ =	vpop (xrf2);
	v0 =	vsel vm9, v0, v2  }
0x97: {  	v2 =	vbroadcast v10, $0xF;
	v0 =	vsel vm10, v0, v1;
	v1 =	vbroadcast v3, $0xF;
	_ =	sdelay $0x1  }
0x98: {  	v0 =	vsel vm11, v0, v2;
	v2 =	vbroadcast v7, $0xF  }
0x99: {  	v0 =	vsel vm12, v0, v1  }
0x9a: {  	v0 =	vsel vm13, v0, v2;
	v1, _, _ =	vpop (xrf2)  }
0x9b: {  	v0 =	vsel vm14, v0, v1  }
0x9c: {  	s18 =	simm.s32 $0x200;
	[tilespmem:s16+$0x0] =	vst v0  }
0x9d: {  	v0 =	vld [tilespmem:s18+$0x7E0]  }
0x9e: {  	v1 =	vld [tilespmem:s18+$0x87E0]  }
0x9f: {  	v9 =	vld [tilespmem:s18+$0x47C0]  }
0xa0: {  	v12 =	vld [tilespmem:s18+$0x47D0]  }
0xa1: {  	v13 =	vld [tilespmem:s18+$0x7C0]  }
0xa2: {  	v14 =	vld [tilespmem:s18+$0x87C0]  }
0xa3: {  	v15 =	vld [tilespmem:s18+$0x7D0]  }
0xa4: {  	v16 =	vld [tilespmem:s18+$0x87D0]  }
0xa5: {  	v17 =	vld [tilespmem:s18+$0x4780]  }
0xa6: {  	v19 =	vld [tilespmem:s18+$0x4790]  }
0xa7: {  	v3 =	vld [tilespmem:s18+$0x7A0]  }
0xa8: {  	v4 =	vld [tilespmem:s18+$0x87A0]  }
0xa9: {  	v2 =	vld [tilespmem:s18+$0x7B0]  }
0xaa: {  	v20 =	vld [tilespmem:s18+$0x4760]  }
0xab: {  	v21 =	vld [tilespmem:s18+$0x4770]  }
0xac: {  	v18 =	vld [tilespmem:s18+$0x780]  }
0xad: {  	v22 =	vld [tilespmem:s18+$0x8780]  }
0xae: {  	v23 =	vld [tilespmem:s18+$0x790]  }
0xaf: {  	v24 =	vld [tilespmem:s18+$0x8790]  }
0xb0: {  	v25 =	vld [tilespmem:s18+$0x760]  }
0xb1: {  	v26 =	vld [tilespmem:s18+$0x8760]  }
0xb2: {  	v27 =	vld [tilespmem:s18+$0x770]  }
0xb3: {  	v28 =	vld [tilespmem:s18+$0x8770]  }
0xb4: {  	v29 =	vld [tilespmem:s18+$0x4720]  }
0xb5: {  	v30 =	vld [tilespmem:s18+$0x4730]  }
0xb6: {  	v6 =	vld [tilespmem:s18+$0x740]  }
0xb7: {  	v7 =	vld [tilespmem:s18+$0x8740]  }
0xb8: {  	v5 =	vld [tilespmem:s18+$0x750]  }
0xb9: {  	v31 =	vld [tilespmem:s18+$0x4700]  }
0xba: {  	v32 =	vld [tilespmem:s18+$0x4710]  }
0xbb: {  	v33 =	vld [tilespmem:s18+$0x720]  }
0xbc: {  	v34 =	vld [tilespmem:s18+$0x8720]  }
0xbd: {  	v35 =	vld [tilespmem:s18+$0x730]  }
0xbe: {  	v36 =	vld [tilespmem:s18+$0x8730]  }
0xbf: {  	v37 =	vld [tilespmem:s18+$0x700]  }
0xc0: {  	v38 =	vld [tilespmem:s18+$0x8700]  }
0xc1: {  	v39 =	vld [tilespmem:s18+$0x710]  }
0xc2: {  	v40 =	vld [tilespmem:s18+$0x8710]  }
0xc3: {  	v41 =	vld [tilespmem:s18+$0x46C0]  }
0xc4: {  	v42 =	vld [tilespmem:s18+$0x46D0]  }
0xc5: {  	v10 =	vld [tilespmem:s18+$0x6E0]  }
0xc6: {  	v11 =	vld [tilespmem:s18+$0x86E0]  }
0xc7: {  	v8 =	vld [tilespmem:s18+$0x6F0]  }
0xc8: {  	v43 =	vld [tilespmem:s18+$0x46A0]  }
0xc9: {  	v44 =	vld [tilespmem:s18+$0x46B0]  }
0xca: {  	v45 =	vld [tilespmem:s18+$0x6C0]  }
0xcb: {  	v57 =	vld [tilespmem:s18+$0x86C0]  }
0xcc: {  	v58 =	vld [tilespmem:s18+$0x6D0]  }
0xcd: {  	v59 =	vld [tilespmem:s18+$0x86D0]  }
0xce: {  	v60 =	vld [tilespmem:s18+$0x6A0]  }
0xcf: {  	v61 =	vld [tilespmem:s18+$0x86A0]  }
0xd0: {  	v62 =	vld [tilespmem:s18+$0x6B0];
	v13 =	vadd.f32 v14, v13  }
0xd1: {  	v63 =	vld [tilespmem:s18+$0x86B0];
	v14 =	vadd.f32 v16, v15;
	v18 =	vadd.f32 v22, v18  }
0xd2: {  	v56 =	vld [tilespmem:s18+$0x4660];
	v22 =	vadd.f32 v24, v23;
	v23 =	vadd.f32 v26, v25  }
0xd3: {  	v15 =	vld [tilespmem:s18+$0x680];
	v9 =	vsub.f32 v13, v9;
	v12 =	vsub.f32 v14, v12  }
0xd4: {  	v16 =	vld [tilespmem:s18+$0x8680];
	v19 =	vsub.f32 v22, v19;
	v22 =	vadd.f32 v28, v27  }
0xd5: {  	v25 =	vld [tilespmem:s18+$0x8660];
	v20 =	vsub.f32 v23, v20;
	v9 =	vand.u32 $0x7FFFFFFF, v9;
	v12 =	vand.u32 $0x7FFFFFFF, v12  }
0xd6: {  	v26 =	vld [tilespmem:s18+$0x670];
	v9 =	vadd.f32 v12, v9;
	v12 =	vsub.f32 v18, v17  }
0xd7: {  	v23 =	vld [tilespmem:s18+$0x660];
	v21 =	vsub.f32 v22, v21;
	v22 =	vadd.f32 v36, v35  }
0xd8: {  	v24 =	vadd.f32 v34, v33;
	v13 =	vld [tilespmem:s18+$0x4670];
	v19 =	vand.u32 $0x7FFFFFFF, v19;
	v12 =	vand.u32 $0x7FFFFFFF, v12  }
0xd9: {  	v14 =	vld [tilespmem:s18+$0x690];
	v21 =	vand.u32 $0x7FFFFFFF, v21;
	v22 =	vsub.f32 v22, v30;
	v12 =	vadd.f32 v19, v12  }
0xda: {  	v27 =	vld [tilespmem:s18+$0x8670];
	(xrf2) =	vadd.scan.msk.f32 $0xffff, v9;
	v19 =	vand.u32 $0x7FFFFFFF, v20;
	v20 =	vsub.f32 v24, v29;
	v24 =	vadd.f32 v38, v37  }
0xdb: {  	v18 =	vld [tilespmem:s18+$0x4640];
	v9 =	vadd.f32 v21, v19;
	v21 =	vadd.f32 v40, v39  }
0xdc: {  	v17 =	vld [tilespmem:s18+$0x4650];
	v23 =	vadd.f32 v25, v23;
	v22 =	vand.u32 $0x7FFFFFFF, v22;
	v29 =	vadd.f32 v61, v60;
	(xrf2) =	vadd.scan.msk.f32 $0xffff, v12  }
0xdd: {  	v30 =	vld [tilespmem:s18+$0x640];
	v28 =	vand.u32 $0x7FFFFFFF, v20;
	v24 =	vsub.f32 v24, v31;
	(xrf2) =	vadd.scan.msk.f32 $0xffff, v9;
	v9 =	vsub.f32 v21, v32  }
0xde: {  	v25 =	vld [tilespmem:s18+$0x610];
	v12 =	vadd.f32 v57, v45;
	v21 =	vadd.f32 v22, v28  }
0xdf: {  	v19 =	vld [tilespmem:s18+$0x4600];
	v22 =	vadd.f32 v59, v58;
	v24 =	vand.u32 $0x7FFFFFFF, v24;
	v9 =	vand.u32 $0x7FFFFFFF, v9  }
0xe0: {  	v20 =	vld [tilespmem:s18+$0x4610];
	v60 =	vadd.f32 v9, v24;
	v9 =	vsub.f32 v29, v43  }
0xe1: {  	v26 =	vadd.f32 v27, v26;
	v31 =	vld [tilespmem:s18+$0x650];
	(xrf2) =	vadd.scan.msk.f32 $0xffff, v21  }
0xe2: {  	v28 =	vld [tilespmem:s18+$0x8640];
	v12 =	vsub.f32 v12, v41;
	v59 =	vsub.f32 v22, v42  }
0xe3: {  	v13 =	vsub.f32 v26, v13;
	v57 =	vadd.f32 v63, v62;
	v58 =	vld [tilespmem:s18+$0x8650]  }
0xe4: {  	v22 =	vld [tilespmem:s18+$0x8600];
	v12 =	vand.u32 $0x7FFFFFFF, v12;
	v27 =	vand.u32 $0x7FFFFFFF, v59;
	v61 =	vand.u32 $0x7FFFFFFF, v9;
	v9, _, _ =	vpop (xrf2);
	(xrf2) =	vadd.scan.msk.f32 $0xffff, v60  }
0xe5: {  	v32 =	vsub.f32 v57, v44;
	v24 =	vld [tilespmem:s18+$0x600];
	v27 =	vadd.f32 v27, v12  }
0xe6: {  	v62 =	vsub.f32 v23, v56;
	v29 =	vld [tilespmem:s18+$0x8610]  }
0xe7: {  	v63 =	vand.u32 $0x7FFFFFFF, v13;
	v21 =	vld [tilespmem:s18+$0x620];
	v23 =	vand.u32 $0x7FFFFFFF, v32;
	v12, _, _ =	vpop (xrf2);
	(xrf2) =	vadd.scan.msk.f32 $0xffff, v27  }
0xe8: {  	v30 =	vadd.f32 v28, v30;
	v28 =	vand.u32 $0x7FFFFFFF, v62;
	v26 =	vadd.f32 v23, v61;
	v23 =	vld [tilespmem:s18+$0x8620]  }
0xe9: {  	s20 =	simm.s32 $0x1000;
	s19 =	simm.s32 $0xC600;
	v31 =	vadd.f32 v58, v31;
	v28 =	vadd.f32 v63, v28;
	v27 =	vld [tilespmem:s18+$0x630];
	v13, _, _ =	vpop (xrf2)  }
.LBB2_2:
0xea: {  	p0 =	sne.s32 s20, $0xF800;
	v22 =	vadd.f32 v22, v24;
	v24 =	vld [tilespmem:s18+$0x8630];
	v18 =	vsub.f32 v30, v18;
	(xrf2) =	vadd.scan.msk.f32 $0xffff, v26  }
0xeb: {  	v25 =	vadd.f32 v29, v25;
	v26 =	vld [tilespmem:s18+$0x4620];
	v29 =	vsub.f32 v31, v17;
	v17, _, _ =	vpop (xrf2)  }
0xec: {  	v19 =	vsub.f32 v22, v19;
	v22 =	vld [tilespmem:s18+$0x4630]  }
0xed: {  	v18 =	vand.u32 $0x7FFFFFFF, v18;
	v20 =	vsub.f32 v25, v20;
	v25 =	vand.u32 $0x7FFFFFFF, v29;
	v29 =	vld [tilespmem:s18+$0x8690];
	(xrf2) =	vadd.scan.msk.f32 $0xffff, v28  }
0xee: {  	v19 =	vand.u32 $0x7FFFFFFF, v19;
	v18 =	vadd.f32 v25, v18;
	v25 =	vld [tilespmem:s18+$0x4680];
	v28, _, _ =	vpop (xrf2)  }
0xef: {  	v21 =	vadd.f32 v23, v21;
	v20 =	vand.u32 $0x7FFFFFFF, v20;
	v23 =	vadd.f32 v24, v27;
	v24 =	vld [tilespmem:s18+$0x4690]  }
0xf0: {  	v15 =	vadd.f32 v16, v15;
	v19 =	vadd.f32 v20, v19;
	v16 =	vld [tilespmem:s18+$0x86F0];
	(xrf2) =	vadd.scan.msk.f32 $0xffff, v18  }
0xf1: {  	v18 =	vsub.f32 v21, v26;
	v20 =	vsub.f32 v23, v22;
	v21 =	vld [tilespmem:s18+$0x46E0];
	v22, _, _ =	vpop (xrf2)  }
0xf2: {  	v10 =	vadd.f32 v11, v10;
	v14 =	vadd.f32 v29, v14;
	v23 =	vld [tilespmem:s18+$0x46F0]  }
0xf3: {  	v11 =	vand.u32 $0x7FFFFFFF, v18;
	v18 =	vand.u32 $0x7FFFFFFF, v20;
	v15 =	vsub.f32 v15, v25;
	v20 =	vld [tilespmem:s18+$0x8750];
	(xrf2) =	vadd.scan.msk.f32 $0xffff, v19  }
0xf4: {  	v11 =	vadd.f32 v18, v11;
	v25 =	vsub.f32 v14, v24;
	v18 =	vld [tilespmem:s18+$0x4740];
	v19, _, _ =	vpop (xrf2)  }
0xf5: {  	v6 =	vadd.f32 v7, v6;
	v8 =	vadd.f32 v16, v8;
	v16 =	vld [tilespmem:s18+$0x4750]  }
0xf6: {  	v7 =	vand.u32 $0x7FFFFFFF, v15;
	v24 =	vand.u32 $0x7FFFFFFF, v25;
	v10 =	vsub.f32 v10, v21;
	v15 =	vld [tilespmem:s18+$0x87B0];
	(xrf2) =	vadd.scan.msk.f32 $0xffff, v11  }
0xf7: {  	v7 =	vadd.f32 v24, v7;
	v23 =	vsub.f32 v8, v23;
	v11 =	vld [tilespmem:s18+$0x47A0];
	v14, _, _ =	vpop (xrf2)  }
0xf8: {  	v3 =	vadd.f32 v4, v3;
	v5 =	vadd.f32 v20, v5;
	v20 =	vld [tilespmem:s18+$0x47B0]  }
0xf9: {  	v4 =	vand.u32 $0x7FFFFFFF, v10;
	v21 =	vand.u32 $0x7FFFFFFF, v23;
	v6 =	vsub.f32 v6, v18;
	v10 =	vld [tilespmem:s18+$0x7F0];
	(xrf2) =	vadd.scan.msk.f32 $0xffff, v7  }
0xfa: {  	v4 =	vadd.f32 v21, v4;
	v18 =	vsub.f32 v5, v16;
	v7 =	vld [tilespmem:s18+$0x87F0];
	v8, _, _ =	vpop (xrf2)  }
0xfb: {  	v2 =	vadd.f32 v15, v2;
	v15 =	vld [tilespmem:s18+$0x47E0]  }
0xfc: {  	v6 =	vand.u32 $0x7FFFFFFF, v6;
	v16 =	vand.u32 $0x7FFFFFFF, v18;
	v3 =	vsub.f32 v3, v11;
	v11 =	vld [tilespmem:s18+$0x47F0];
	(xrf2) =	vadd.scan.msk.f32 $0xffff, v4  }
0xfd: {  	v4 =	vadd.f32 v16, v6;
	v16 =	vsub.f32 v2, v20;
	v5, _, _ =	vpop (xrf2)  }
0xfe: {  	v0 =	vadd.f32 v1, v0  }
0xff: {  	v1 =	vand.u32 $0x7FFFFFFF, v3;
	v6 =	vand.u32 $0x7FFFFFFF, v16;
	v3 =	vadd.f32 v7, v10;
	(xrf2) =	vadd.scan.msk.f32 $0xffff, v4  }
0x100: {  	v1 =	vadd.f32 v6, v1;
	v0 =	vsub.f32 v0, v15;
	v2, _, _ =	vpop (xrf2)  }
0x101: {  	v6 =	vbroadcast v5, $0xF;
	v2 =	vbroadcast v2, $0xF;
	v3 =	vsub.f32 v3, v11  }
0x102: {  	v5 =	vbroadcast v8, $0xF;
	v0 =	vand.u32 $0x7FFFFFFF, v0;
	(xrf2) =	vadd.scan.msk.f32 $0xffff, v1  }
0x103: {  	v1 =	vsel vm0, v6, v2;
	v2 =	vbroadcast v14, $0xF;
	v3 =	vand.u32 $0x7FFFFFFF, v3;
	v4, _, _ =	vpop (xrf2)  }
0x104: {  	v1 =	vsel vm1, v1, v5;
	v5 =	vbroadcast v4, $0xF;
	v0 =	vadd.f32 v3, v0  }
0x105: {  	v1 =	vsel vm2, v1, v2;
	v2 =	vbroadcast v19, $0xF  }
0x106: {  	v1 =	vsel vm3, v1, v5;
	v5 =	vbroadcast v22, $0xF;
	v4, _, _ =	vpop (xrf2);
	(xrf2) =	vadd.scan.msk.f32 $0xffff, v0  }
0x107: {  	v0 =	vsel vm4, v1, v2;
	v1 =	vbroadcast v4, $0xF  }
0x108: {  	v2 =	vbroadcast v28, $0xF;
	v0 =	vsel vm5, v0, v5  }
0x109: {  	v0 =	vsel vm6, v0, v1;
	v1 =	vbroadcast v17, $0xF;
	v3, _, _ =	vpop (xrf2)  }
0x10a: {  	v0 =	vsel vm7, v0, v2;
	v2 =	vbroadcast v3, $0xF  }
0x10b: {  	v0 =	vsel vm8, v0, v1;
	v1 =	vbroadcast v13, $0xF  }
0x10c: {  	v0 =	vsel vm9, v0, v2;
	v2 =	vbroadcast v12, $0xF;
	v3, _, _ =	vpop (xrf2)  }
0x10d: {  	v0 =	vsel vm10, v0, v1;
	v3 =	vbroadcast v3, $0xF  }
0x10e: {  	v0 =	vsel vm11, v0, v2;
	v2 =	vbroadcast v9, $0xF  }
0x10f: {  	v0 =	vsel vm12, v0, v3  }
0x110: {  	v0 =	vsel vm13, v0, v2;
	v1, _, _ =	vpop (xrf2)  }
0x111: {  	s19 =	sadd.s32 $0x10, s19;
	v0 =	vsel vm14, v0, v1  }
0x112: {  	s18 =	sshra.s32 s20, $0x2;
	[tilespmem:s19+$0x0] =	vst v0  }
0x113: {  	v0 =	vld [tilespmem:s18+$0x7E0]  }
0x114: {  	v1 =	vld [tilespmem:s18+$0x87E0]  }
0x115: {  	v9 =	vld [tilespmem:s18+$0x47C0]  }
0x116: {  	v12 =	vld [tilespmem:s18+$0x47D0]  }
0x117: {  	v13 =	vld [tilespmem:s18+$0x7C0]  }
0x118: {  	v14 =	vld [tilespmem:s18+$0x87C0]  }
0x119: {  	v15 =	vld [tilespmem:s18+$0x7D0]  }
0x11a: {  	v16 =	vld [tilespmem:s18+$0x87D0]  }
0x11b: {  	v17 =	vld [tilespmem:s18+$0x4780]  }
0x11c: {  	v18 =	vld [tilespmem:s18+$0x4790]  }
0x11d: {  	v3 =	vld [tilespmem:s18+$0x7A0]  }
0x11e: {  	v4 =	vld [tilespmem:s18+$0x87A0]  }
0x11f: {  	v2 =	vld [tilespmem:s18+$0x7B0]  }
0x120: {  	v19 =	vld [tilespmem:s18+$0x4760]  }
0x121: {  	v20 =	vld [tilespmem:s18+$0x4770]  }
0x122: {  	v21 =	vld [tilespmem:s18+$0x780]  }
0x123: {  	v22 =	vld [tilespmem:s18+$0x8780]  }
0x124: {  	v23 =	vld [tilespmem:s18+$0x790]  }
0x125: {  	v24 =	vld [tilespmem:s18+$0x8790]  }
0x126: {  	v25 =	vld [tilespmem:s18+$0x760]  }
0x127: {  	v26 =	vld [tilespmem:s18+$0x8760]  }
0x128: {  	v27 =	vld [tilespmem:s18+$0x770]  }
0x129: {  	v28 =	vld [tilespmem:s18+$0x8770]  }
0x12a: {  	v29 =	vld [tilespmem:s18+$0x4720]  }
0x12b: {  	v30 =	vld [tilespmem:s18+$0x4730]  }
0x12c: {  	v6 =	vld [tilespmem:s18+$0x740]  }
0x12d: {  	v7 =	vld [tilespmem:s18+$0x8740]  }
0x12e: {  	v5 =	vld [tilespmem:s18+$0x750]  }
0x12f: {  	v31 =	vld [tilespmem:s18+$0x4700]  }
0x130: {  	v32 =	vld [tilespmem:s18+$0x4710]  }
0x131: {  	v33 =	vld [tilespmem:s18+$0x720]  }
0x132: {  	v34 =	vld [tilespmem:s18+$0x8720]  }
0x133: {  	v35 =	vld [tilespmem:s18+$0x730]  }
0x134: {  	v36 =	vld [tilespmem:s18+$0x8730]  }
0x135: {  	v37 =	vld [tilespmem:s18+$0x700]  }
0x136: {  	v38 =	vld [tilespmem:s18+$0x8700]  }
0x137: {  	v39 =	vld [tilespmem:s18+$0x710]  }
0x138: {  	v40 =	vld [tilespmem:s18+$0x8710]  }
0x139: {  	v41 =	vld [tilespmem:s18+$0x46C0]  }
0x13a: {  	v42 =	vld [tilespmem:s18+$0x46D0]  }
0x13b: {  	v10 =	vld [tilespmem:s18+$0x6E0]  }
0x13c: {  	v11 =	vld [tilespmem:s18+$0x86E0]  }
0x13d: {  	v8 =	vld [tilespmem:s18+$0x6F0]  }
0x13e: {  	v43 =	vld [tilespmem:s18+$0x46A0]  }
0x13f: {  	v44 =	vld [tilespmem:s18+$0x46B0]  }
0x140: {  	v45 =	vld [tilespmem:s18+$0x6C0]  }
0x141: {  	v46 =	vld [tilespmem:s18+$0x86C0]  }
0x142: {  	v47 =	vld [tilespmem:s18+$0x6D0]  }
0x143: {  	v48 =	vld [tilespmem:s18+$0x86D0]  }
0x144: {  	v13 =	vadd.f32 v14, v13;
	v49 =	vld [tilespmem:s18+$0x6A0]  }
0x145: {  	v14 =	vadd.f32 v16, v15;
	v50 =	vld [tilespmem:s18+$0x86A0]  }
0x146: {  	v9 =	vsub.f32 v13, v9;
	v51 =	vld [tilespmem:s18+$0x6B0]  }
0x147: {  	v12 =	vsub.f32 v14, v12;
	v13 =	vld [tilespmem:s18+$0x86B0]  }
0x148: {  	v9 =	vand.u32 $0x7FFFFFFF, v9;
	v52 =	vld [tilespmem:s18+$0x4660]  }
0x149: {  	v12 =	vand.u32 $0x7FFFFFFF, v12;
	v14 =	vadd.f32 v22, v21;
	v21 =	vadd.f32 v24, v23;
	v53 =	vld [tilespmem:s18+$0x4670]  }
0x14a: {  	v9 =	vadd.f32 v12, v9;
	v15 =	vld [tilespmem:s18+$0x680]  }
0x14b: {  	v12 =	vsub.f32 v14, v17;
	v21 =	vsub.f32 v21, v18;
	v16 =	vld [tilespmem:s18+$0x8680]  }
0x14c: {  	v22 =	vadd.f32 v26, v25;
	v23 =	vadd.f32 v28, v27;
	v14 =	vld [tilespmem:s18+$0x690]  }
0x14d: {  	v12 =	vand.u32 $0x7FFFFFFF, v12;
	v18 =	vld [tilespmem:s18+$0x4640]  }
0x14e: {  	v19 =	vsub.f32 v22, v19;
	v21 =	vand.u32 $0x7FFFFFFF, v21;
	v20 =	vsub.f32 v23, v20;
	v17 =	vld [tilespmem:s18+$0x4650];
	(xrf2) =	vadd.scan.msk.f32 $0xffff, v9  }
0x14f: {  	v12 =	vadd.f32 v21, v12;
	v9 =	vadd.f32 v34, v33;
	v23 =	vld [tilespmem:s18+$0x660]  }
0x150: {  	v19 =	vand.u32 $0x7FFFFFFF, v19;
	v20 =	vand.u32 $0x7FFFFFFF, v20;
	v22 =	vadd.f32 v36, v35;
	v21 =	vld [tilespmem:s18+$0x8660]  }
0x151: {  	v24 =	vadd.f32 v20, v19;
	v9 =	vsub.f32 v9, v29;
	v25 =	vld [tilespmem:s18+$0x670];
	(xrf2) =	vadd.scan.msk.f32 $0xffff, v12  }
0x152: {  	v26 =	vadd.f32 v38, v37;
	v22 =	vsub.f32 v22, v30;
	v12 =	vld [tilespmem:s18+$0x8670]  }
0x153: {  	v27 =	vadd.f32 v40, v39;
	v9 =	vand.u32 $0x7FFFFFFF, v9;
	v19 =	vld [tilespmem:s18+$0x4600]  }
0x154: {  	v26 =	vsub.f32 v26, v31;
	v22 =	vand.u32 $0x7FFFFFFF, v22;
	v28 =	vadd.f32 v46, v45;
	v20 =	vld [tilespmem:s18+$0x4610];
	(xrf2) =	vadd.scan.msk.f32 $0xffff, v24  }
0x155: {  	v34 =	vadd.f32 v22, v9;
	v24 =	vsub.f32 v27, v32;
	v30 =	vld [tilespmem:s18+$0x640]  }
0x156: {  	v26 =	vand.u32 $0x7FFFFFFF, v26;
	v28 =	vsub.f32 v28, v41;
	v22 =	vadd.f32 v48, v47;
	v27 =	vld [tilespmem:s18+$0x8640]  }
0x157: {  	v13 =	vadd.f32 v13, v51;
	v29 =	vadd.f32 v50, v49;
	v24 =	vand.u32 $0x7FFFFFFF, v24;
	v31 =	vld [tilespmem:s18+$0x650];
	(xrf2) =	vadd.scan.msk.f32 $0xffff, v34  }
0x158: {  	v33 =	vsub.f32 v22, v42;
	v26 =	vadd.f32 v24, v26;
	v32 =	vld [tilespmem:s18+$0x8650];
	v9, _, _ =	vpop (xrf2)  }
0x159: {  	v28 =	vand.u32 $0x7FFFFFFF, v28;
	v13 =	vsub.f32 v13, v44;
	v29 =	vsub.f32 v29, v43;
	v22 =	vld [tilespmem:s18+$0x8600]  }
0x15a: {  	v21 =	vadd.f32 v21, v23;
	v23 =	vadd.f32 v12, v25;
	v33 =	vand.u32 $0x7FFFFFFF, v33;
	v24 =	vld [tilespmem:s18+$0x600];
	(xrf2) =	vadd.scan.msk.f32 $0xffff, v26  }
.Ltmp0:
0x15b: {  	v28 =	vadd.f32 v33, v28;
	v26 =	vand.u32 $0x7FFFFFFF, v29;
	v25 =	vld [tilespmem:s18+$0x610];
	v12, _, _ =	vpop (xrf2);
	(pc) =	sbr.rel @p0 .LBB2_2-.Ltmp0, $4  }
0x15c: {  	v35 =	vand.u32 $0x7FFFFFFF, v13;
	v33 =	vsub.f32 v21, v52;
	v34 =	vsub.f32 v23, v53;
	v29 =	vld [tilespmem:s18+$0x8610]  }
0x15d: {  	v26 =	vadd.f32 v35, v26;
	v21 =	vld [tilespmem:s18+$0x620];
	(xrf2) =	vadd.scan.msk.f32 $0xffff, v28  }
0x15e: {  	v30 =	vadd.f32 v27, v30;
	v28 =	vand.u32 $0x7FFFFFFF, v33;
	v33 =	vand.u32 $0x7FFFFFFF, v34;
	v23 =	vld [tilespmem:s18+$0x8620];
	v13, _, _ =	vpop (xrf2)  }
0x15f: {  	s20 =	sadd.s32 $0x800, s20;
	v31 =	vadd.f32 v32, v31;
	v28 =	vadd.f32 v33, v28;
	v27 =	vld [tilespmem:s18+$0x630]  }
0x160: {  	v51 =	vld [tilespmem:s18+$0x8630]  }
0x161: {  	v52 =	vld [tilespmem:s18+$0x4620]  }
0x162: {  	v22 =	vadd.f32 v22, v24;
	v18 =	vsub.f32 v30, v18;
	v53 =	vld [tilespmem:s18+$0x4630]  }
0x163: {  	v54 =	vld [tilespmem:s18+$0x8690];
	v15 =	vadd.f32 v16, v15;
	v10 =	vadd.f32 v11, v10  }
0x164: {  	v55 =	vld [tilespmem:s18+$0x4680];
	v6 =	vadd.f32 v7, v6;
	v17 =	vsub.f32 v31, v17  }
0x165: {  	v57 =	vld [tilespmem:s18+$0x4690];
	v25 =	vadd.f32 v29, v25;
	v19 =	vsub.f32 v22, v19;
	v18 =	vand.u32 $0x7FFFFFFF, v18  }
0x166: {  	v58 =	vld [tilespmem:s18+$0x86F0];
	v17 =	vand.u32 $0x7FFFFFFF, v17;
	v21 =	vadd.f32 v23, v21;
	v56 =	vadd.f32 v51, v27  }
0x167: {  	v61 =	vld [tilespmem:s18+$0x46E0];
	v20 =	vsub.f32 v25, v20;
	v17 =	vadd.f32 v17, v18  }
0x168: {  	(xrf2) =	vadd.scan.msk.f32 $0xffff, v26;
	v26 =	vld [tilespmem:s18+$0x8750];
	v19 =	vand.u32 $0x7FFFFFFF, v19;
	v59 =	vsub.f32 v21, v52;
	v60 =	vsub.f32 v56, v53  }
0x169: {  	v62 =	vld [tilespmem:s18+$0x46F0];
	v20 =	vand.u32 $0x7FFFFFFF, v20;
	v14 =	vadd.f32 v54, v14;
	v15 =	vsub.f32 v15, v55  }
0x16a: {  	(xrf2) =	vadd.scan.msk.f32 $0xffff, v28;
	v19 =	vadd.f32 v20, v19;
	v63 =	vand.u32 $0x7FFFFFFF, v59;
	v25 =	vand.u32 $0x7FFFFFFF, v60  }
0x16b: {  	v28 =	vld [tilespmem:s18+$0x4750];
	(xrf2) =	vadd.scan.msk.f32 $0xffff, v17;
	v14 =	vsub.f32 v14, v57;
	v11 =	vadd.f32 v25, v63  }
0x16c: {  	v27 =	vld [tilespmem:s18+$0x4740];
	v8 =	vadd.f32 v58, v8;
	v10 =	vsub.f32 v10, v61;
	(xrf2) =	vadd.scan.msk.f32 $0xffff, v19  }
0x16d: {  	v30 =	vld [tilespmem:s18+$0x87B0];
	v5 =	vadd.f32 v26, v5;
	v29 =	vand.u32 $0x7FFFFFFF, v15;
	v14 =	vand.u32 $0x7FFFFFFF, v14;
	(xrf2) =	vadd.scan.msk.f32 $0xffff, v11  }
0x16e: {  	v31 =	vld [tilespmem:s18+$0x47A0];
	v8 =	vsub.f32 v8, v62;
	v7 =	vadd.f32 v14, v29  }
0x16f: {  	v32 =	vld [tilespmem:s18+$0x47B0];
	v3 =	vadd.f32 v4, v3  }
0x170: {  	v34 =	vld [tilespmem:s18+$0x7F0];
	v33, _, _ =	vpop (xrf2);
	v10 =	vand.u32 $0x7FFFFFFF, v10;
	v5 =	vsub.f32 v5, v28;
	v8 =	vand.u32 $0x7FFFFFFF, v8;
	(xrf2) =	vadd.scan.msk.f32 $0xffff, v7  }
0x171: {  	v36 =	vld [tilespmem:s18+$0x87F0];
	v35, _, _ =	vpop (xrf2);
	v6 =	vsub.f32 v6, v27;
	v8 =	vadd.f32 v8, v10  }
0x172: {  	v38 =	vld [tilespmem:s18+$0x47E0];
	v2 =	vadd.f32 v30, v2;
	v37, _, _ =	vpop (xrf2)  }
0x173: {  	v40 =	vld [tilespmem:s18+$0x47F0];
	v3 =	vsub.f32 v3, v31;
	v5 =	vand.u32 $0x7FFFFFFF, v5;
	v39, _, _ =	vpop (xrf2);
	v6 =	vand.u32 $0x7FFFFFFF, v6;
	(xrf2) =	vadd.scan.msk.f32 $0xffff, v8  }
0x174: {  	v2 =	vsub.f32 v2, v32;
	v41, _, _ =	vpop (xrf2);
	v5 =	vadd.f32 v5, v6  }
0x175: {  	v0 =	vadd.f32 v1, v0;
	v42, _, _ =	vpop (xrf2)  }
0x176: {  	v3 =	vand.u32 $0x7FFFFFFF, v3;
	v2 =	vand.u32 $0x7FFFFFFF, v2;
	v10 =	vadd.f32 v36, v34;
	(xrf2) =	vadd.scan.msk.f32 $0xffff, v5;
	v43, _, _ =	vpop (xrf2)  }
0x177: {  	v0 =	vsub.f32 v0, v38;
	v2 =	vadd.f32 v2, v3;
	v44, _, _ =	vpop (xrf2)  }
0x178: {  	v45 =	vsub.f32 v10, v40;
	v1 =	vbroadcast v43, $0xF;
	v3 =	vbroadcast v44, $0xF  }
0x179: {  	v0 =	vand.u32 $0x7FFFFFFF, v0;
	(xrf2) =	vadd.scan.msk.f32 $0xffff, v2;
	v6 =	vbroadcast v42, $0xF  }
0x17a: {  	v46 =	vbroadcast v41, $0xF;
	v47 =	vand.u32 $0x7FFFFFFF, v45;
	v48, _, _ =	vpop (xrf2);
	v1 =	vsel vm0, v1, v3  }
0x17b: {  	v0 =	vadd.f32 v47, v0;
	v5 =	vbroadcast v48, $0xF;
	v1 =	vsel vm1, v1, v6  }
0x17c: {  	v49 =	vbroadcast v39, $0xF;
	v1 =	vsel vm2, v1, v46  }
0x17d: {  	v50 =	vbroadcast v37, $0xF;
	(xrf2) =	vadd.scan.msk.f32 $0xffff, v0;
	v51, _, _ =	vpop (xrf2);
	v1 =	vsel vm3, v1, v5  }
0x17e: {  	v53 =	vbroadcast v51, $0xF;
	v52 =	vsel vm4, v1, v49  }
0x17f: {  	v54 =	vbroadcast v35, $0xF;
	v0 =	vsel vm5, v52, v50  }
0x180: {  	v55 =	vbroadcast v33, $0xF;
	v56, _, _ =	vpop (xrf2);
	v0 =	vsel vm6, v0, v53  }
0x181: {  	v57 =	vbroadcast v56, $0xF;
	v0 =	vsel vm7, v0, v54  }
0x182: {  	v58 =	vbroadcast v13, $0xF;
	v0 =	vsel vm8, v0, v55  }
0x183: {  	v59 =	vbroadcast v12, $0xF;
	v60, _, _ =	vpop (xrf2);
	v0 =	vsel vm9, v0, v57  }
0x184: {  	v61 =	vbroadcast v60, $0xF;
	v0 =	vsel vm10, v0, v58  }
0x185: {  	v62 =	vbroadcast v9, $0xF;
	v0 =	vsel vm11, v0, v59  }
0x186: {  	v0 =	vsel vm12, v0, v61  }
0x187: {  	s17 =	sadd.s32 $0x1, s17;
	v63, _, _ =	vpop (xrf2);
	v0 =	vsel vm13, v0, v62  }
0x188: {  	s31 =	sadd.s32 $0x10, s19;
	p0 =	sne.s32 s17, s9;
	v0 =	vsel vm14, v0, v63  }
.Ltmp1:
0x189: {  	[tilespmem:s31+$0x0] =	vst v0;
	(pc) =	sbr.rel @p0 .LBB2_1-.Ltmp1, $4  }
0x18a: {  	[hbm4b:s8+s2] =	stream.linear.scatter [tilespmem:s16], [sflag:$0x2], $0x200, $0x38;
	[tilespmem:$0xC800] =	vst v63  }
0x18b: {  	_ =	swait.ge [sflag:s10], $0x200  }
0x18c: {  	[sflag:s10] =	ssyncset.done $0x0  }
0x18d: {  	[sflag:s10] =	ssyncadd.s32 $0xFFFFFE00  }
0x18e: {  	_ =	sfence.sel $0x180000  }
0x18f: {  	[bflag:$0x0] =	sbarrier.arrive $0xFFFF  }
0x190: {  	p0 =	sne.s32 s1, $0x0;
	_ =	strace $0x90000047  }
0x191: {  	s0 =	sadd.s32 @!p0 $0x100000, s0;
	[bflag:$0x2] =	sbarrier.arrive $0xFFFF  }
0x192: {  	[sflag:s0] =	ssyncadd.tile.s32 @!p0 $0x1;
	_ =	shalt  }
.Lfunc_end2:
_tile_overlayer_lowered:
.L_overlay_start_2:
0x193: {  	(tag) =	ssettag $0x2  }
0x194: {  	s0 =	rddreg [dreg:$0x0];
	s2 =	stileid.u32  }
0x195: {  	s1 =	rddreg [dreg:$0x1];
	p0 =	sne.s32 s2, $0x0  }
0x196: {  	s3 =	rddreg [dreg:$0x2];
	[bflag:$0x3] =	sbarrier.arrive $0xFFFF;
	s2 =	simm.s32 @!p0 $0x1C02  }
0x197: {  	[timem:s3], [sflag:s2] =	dma.local @!p0 [hbm:s0], s1  }
0x198: {  	s0 =	simm.s32 @!p0 $0x2  }
0x199: {  	_ =	swait.ge @!p0 [sflag:s0], s1  }
0x19a: {  	s1 =	ssub.s32 @!p0 $0x0, s1;
	[sflag:s0] =	ssyncset.done @!p0 $0x0  }
0x19b: {  	[sflag:s0] =	ssyncadd.s32 @!p0 s1  }
0x19c: {  	[bflag:$0x3] =	sbarrier.arrive $0xFFFF  }
0x19d: {  	_ =	shalt  }

</sc_bundles>
